<compile_context>
chip_gen: v7x
topology: tpu7x:2x2x1
jax: 0.10.2.dev20260603
libtpu: 0.0.44.dev20260713+nightly
codegen_flags: <defaults>
</compile_context>

<pallas_src>
import functools

import jax
import jax.numpy as jnp
from jax import lax
from jax.experimental import pallas as pl
from jax.experimental.pallas import tpu as pltpu
from jax.experimental.pallas import tpu_sc as plsc

_B, _T, _H, _F, _NB, _MAXLEN = 16, 512, 256, 256, 256, 2048
_NZ = 16
_TAUG = _T + _NZ



def _dot(a, b):
    return lax.dot_general(a, b, (((1,), (0,)), ((), ())),
                           preferred_element_type=jnp.float32)


def _embed_body(xref, ptref, etref, durref, eref, binsref, wdep, vdep,
                xbref, x2ref, x3ref, idxref, melref):
    del wdep, vdep
    b = pl.program_id(0)
    x = xref[0]
    pt = ptref[0]
    et = etref[0]
    dur_l = durref[0]

    def bucket_embed(v_s, brow, table):
        idx = jnp.sum((brow < v_s).astype(jnp.int32), axis=1, keepdims=True)
        lanes = lax.broadcasted_iota(jnp.int32, (_T, _NB), 1)
        onehot = (lanes == idx).astype(jnp.float32)
        return _dot(onehot, table)

    x2 = x + bucket_embed(pt, binsref[0:1, :], eref[0:_NB, :])
    x3 = x2 + bucket_embed(et, binsref[1:2, :], eref[_NB:2 * _NB, :])
    xbref[0] = x.astype(jnp.bfloat16)
    x2ref[0] = x2.astype(jnp.bfloat16)
    x3ref[...] = jnp.concatenate([x3, jnp.zeros((_NZ, _H), jnp.float32)],
                                 axis=0)

    jl = lax.broadcasted_iota(jnp.int32, (_T, _T), 1)
    ts = lax.broadcasted_iota(jnp.int32, (_T, _T), 0)
    cum_s = jnp.sum(jnp.where(jl <= ts, dur_l, 0), axis=1, keepdims=True)

    t_out = lax.broadcasted_iota(jnp.int32, (1, _MAXLEN), 1)
    idxo = jnp.sum((cum_s <= t_out).astype(jnp.int32), axis=0, keepdims=True)
    cumlast = cum_s[_T - 1:_T, :]
    pad_row = _T + (t_out & (_NZ - 1))
    idx_row = b * _TAUG + jnp.where(t_out < cumlast, idxo, pad_row)
    idxref[...] = idx_row.reshape(_MAXLEN // 128, 128)
    melref[0] = jnp.broadcast_to(cumlast, (1, 128))


def _embed_call(x, pt3, et3, dur3, eflat, bins, wflat, vflat):
    return pl.pallas_call(
        _embed_body,
        grid=(_B,),
        in_specs=[
            pl.BlockSpec((1, _T, _H), lambda b: (b, 0, 0)),
            pl.BlockSpec((1, _T, 1), lambda b: (b, 0, 0)),
            pl.BlockSpec((1, _T, 1), lambda b: (b, 0, 0)),
            pl.BlockSpec((1, 1, _T), lambda b: (b, 0, 0)),
            pl.BlockSpec((2 * _NB, _H), lambda b: (0, 0)),
            pl.BlockSpec((2, _NB), lambda b: (0, 0)),
            pl.BlockSpec((8, 128), lambda b: (0, 0)),
            pl.BlockSpec((8, 128), lambda b: (0, 0)),
        ],
        out_specs=[
            pl.BlockSpec((1, _T, _H), lambda b: (b, 0, 0)),
            pl.BlockSpec((1, _T, _H), lambda b: (b, 0, 0)),
            pl.BlockSpec((_TAUG, _H), lambda b: (b, 0)),
            pl.BlockSpec((_MAXLEN // 128, 128), lambda b: (b, 0)),
            pl.BlockSpec((1, 1, 128), lambda b: (b, 0, 0)),
        ],
        out_shape=[
            jax.ShapeDtypeStruct((_B, _T, _H), jnp.bfloat16),
            jax.ShapeDtypeStruct((_B, _T, _H), jnp.bfloat16),
            jax.ShapeDtypeStruct((_B * _TAUG, _H), jnp.float32),
            jax.ShapeDtypeStruct((_B * _MAXLEN // 128, 128), jnp.int32),
            jax.ShapeDtypeStruct((_B, 1, 128), jnp.int32),
        ],
        cost_estimate=pl.CostEstimate(
            flops=2 * _B * (2 * _T * _NB * _H + _T * _T + _T * _MAXLEN),
            transcendentals=0, bytes_accessed=40 * 1024 * 1024),
    )(x, pt3, et3, dur3, eflat, bins, wflat, vflat)


def _pred_body(xbref, x2ref, keepref, wref, vref, predref):
    xb = xbref[0]
    x2b = x2ref[0]
    keep = keepref[0]

    def vrow(r):
        return vref[r:r + 1, :]

    def shifts(h):
        z = jnp.zeros((1, _H), h.dtype)
        return (jnp.concatenate([z, h[:-1]], 0), h,
                jnp.concatenate([h[1:], z], 0))

    def conv(h_bf, wbase):
        hm, h0, hp = shifts(h_bf)
        return (_dot(hm, wref[wbase:wbase + _H, :])
                + _dot(h0, wref[wbase + _H:wbase + 2 * _H, :])
                + _dot(hp, wref[wbase + 2 * _H:wbase + 3 * _H, :]))

    def predictor(p, xin_bf):
        h = jnp.maximum(conv(xin_bf, p * 6 * _H) + vrow(p * 8 + 0), 0.0)
        m = jnp.mean(h, axis=1, keepdims=True)
        v = jnp.mean(h * h, axis=1, keepdims=True) - m * m
        rs = 1.0 / jnp.sqrt(v + 1e-5)
        hn = (((h - m) * rs) * vrow(p * 8 + 1)
              + vrow(p * 8 + 2)).astype(jnp.bfloat16)
        h2 = jnp.maximum(conv(hn, (p * 6 + 3) * _H) + vrow(p * 8 + 3), 0.0)
        u = vrow(p * 8 + 4)
        m2 = jnp.mean(h2, axis=1, keepdims=True)
        v2 = jnp.mean(h2 * h2, axis=1, keepdims=True) - m2 * m2
        rs2 = 1.0 / jnp.sqrt(v2 + 1e-5)
        su = jnp.sum(h2 * u, axis=1, keepdims=True)
        usum = jnp.sum(u, axis=1, keepdims=True)[0:1, 0:1]
        c = vrow(p * 8 + 5)[0:1, 0:1]
        out = rs2 * (su - m2 * usum) + c
        return out * keep

    cols = [predictor(0, xb), predictor(1, xb), predictor(2, x2b)]
    predref[0] = jnp.concatenate(
        [cols[1], cols[2], cols[0], jnp.zeros((_T, 5), jnp.float32)],
        axis=1)


def _pred_call(xb, x2b, keep3, wflat, vflat):
    return pl.pallas_call(
        _pred_body,
        grid=(_B,),
        in_specs=[
            pl.BlockSpec((1, _T, _H), lambda b: (b, 0, 0)),
            pl.BlockSpec((1, _T, _H), lambda b: (b, 0, 0)),
            pl.BlockSpec((1, _T, 1), lambda b: (b, 0, 0)),
            pl.BlockSpec((18 * _H, _F), lambda b: (0, 0)),
            pl.BlockSpec((24, _F), lambda b: (0, 0)),
        ],
        out_specs=[pl.BlockSpec((1, _T, 8), lambda b: (b, 0, 0))],
        out_shape=[jax.ShapeDtypeStruct((_B, _T, 8), jnp.float32)],
        cost_estimate=pl.CostEstimate(
            flops=2 * _B * 6 * _T * 3 * _H * _F,
            transcendentals=0, bytes_accessed=16 * 1024 * 1024),
    )(xb, x2b, keep3, wflat, vflat)[0]



_NC, _NS = 2, 16
_NW = _NC * _NS
_ROWS = _B * _MAXLEN
_RPW = _ROWS // _NW
_CH = 128
_NCHUNK = _RPW // _CH
_NBUF = 3


@functools.cache
def _make_sc_gather():
    mesh = plsc.VectorSubcoreMesh(core_axis_name="c", subcore_axis_name="s",
                                  num_cores=_NC, num_subcores=_NS)

    @functools.partial(
        pl.kernel,
        mesh=mesh,
        out_type=jax.ShapeDtypeStruct((_ROWS, _H), jnp.float32),
        cost_estimate=pl.CostEstimate(
            flops=0, transcendentals=0,
            bytes_accessed=2 * _ROWS * _H * 4),
        scratch_types=[
            pltpu.VMEM((_NCHUNK, _CH), jnp.int32),
            [pltpu.VMEM((_CH, _H), jnp.float32) for _ in range(_NBUF)],
            [pltpu.SemaphoreType.DMA for _ in range(_NBUF)],
            [pltpu.SemaphoreType.DMA for _ in range(_NBUF)],
        ],
    )
    def sc_gather(xaug, idx, out, idx_all, rows_v, gsem, ssem):
        wid = lax.axis_index("s") * _NC + lax.axis_index("c")
        gh, sh = {}, {}
        pltpu.sync_copy(idx.at[pl.ds(wid * _NCHUNK, _NCHUNK)], idx_all)

        def off(k):
            return (wid * _NCHUNK + k) * _CH

        def start_gather(k, s):
            gh[k] = pltpu.async_copy(xaug.at[idx_all.at[k]], rows_v[s],
                                     gsem[s])

        for k in range(min(_NBUF, _NCHUNK)):
            start_gather(k, k % _NBUF)
        for k in range(_NCHUNK):
            s = k % _NBUF
            gh[k].wait()
            sh[k] = pltpu.async_copy(
                rows_v[s], out.at[pl.ds(off(k), _CH)], ssem[s])
            if k + _NBUF < _NCHUNK:
                sh[k].wait()
                start_gather(k + _NBUF, s)
        for k in range(max(_NCHUNK - _NBUF, 0), _NCHUNK):
            sh[k].wait()

    return sc_gather


def _sc_gather(xaug, idx):
    return _make_sc_gather()(xaug, idx)




def kernel(x, src_mask, max_len, pitch_target, energy_target, duration_target,
           params, pitch_bins, energy_bins):
    preds = (params['dur'], params['pitch'], params['energy'])
    wflat = jnp.concatenate(
        [p[wn][:, :, k].T for p in preds for wn in ('W1', 'W2')
         for k in range(3)], axis=0).astype(jnp.bfloat16)
    vflat = jnp.stack(
        [r for p in preds
         for r in (p['b1'], p['g1'], p['be1'], p['b2'],
                   p['g2'] * p['Wl'][0],
                   jnp.broadcast_to(jnp.sum(p['be2'] * p['Wl'][0]) + p['bl'][0],
                                    (_F,)),
                   jnp.zeros((_F,), jnp.float32),
                   jnp.zeros((_F,), jnp.float32))], axis=0)
    eflat = jnp.concatenate([params['pitch_emb'], params['energy_emb']], 0)
    inf = jnp.full((1,), jnp.inf, jnp.float32)
    bins = jnp.stack([jnp.concatenate([pitch_bins.astype(jnp.float32), inf]),
                      jnp.concatenate([energy_bins.astype(jnp.float32), inf])])

    keep3 = (1.0 - src_mask.astype(jnp.float32)).reshape(_B, _T, 1)
    pt3 = pitch_target.reshape(_B, _T, 1)
    et3 = energy_target.reshape(_B, _T, 1)
    dur3 = duration_target.astype(jnp.int32).reshape(_B, 1, _T)

    xb, x2b, x3a, idxg, melb = _embed_call(x, pt3, et3, dur3, eflat, bins,
                                           wflat, vflat)
    out_rows = _sc_gather(x3a, idxg)
    pcols = _pred_call(xb, x2b, keep3, wflat, vflat)
    out = out_rows.reshape(_B, _MAXLEN, _H)

    pitch_prediction = pcols[:, :, 0]
    energy_prediction = pcols[:, :, 1]
    log_duration_prediction = pcols[:, :, 2]
    mel_len = jnp.minimum(melb[:, 0, 0], max_len)
    return (out, pitch_prediction, energy_prediction, log_duration_prediction,
            duration_target, mel_len)

# --- scband reference (transcript-rebuilt; emitter-appended) ---
"""Pipeline reference for scband-variance-adaptor-48129403518982 (READ-ONLY COPY).

The authoritative reference and input builder live on the scoring server;
editing this copy changes nothing except your own understanding.
"""

import jax, jax.numpy as jnp
import numpy as np

B, T, H, F, K, NB, MAXLEN = 16, 512, 256, 256, 3, 256, 2048


def _init_predictor(key):
    ks = jax.random.split(key, 3)
    return {
        'W1': jax.random.normal(ks[0], (F, H, K), dtype=jnp.float32) * 0.02,
        'b1': jnp.zeros((F,), jnp.float32),
        'g1': jnp.ones((F,), jnp.float32),
        'be1': jnp.zeros((F,), jnp.float32),
        'W2': jax.random.normal(ks[1], (F, F, K), dtype=jnp.float32) * 0.02,
        'b2': jnp.zeros((F,), jnp.float32),
        'g2': jnp.ones((F,), jnp.float32),
        'be2': jnp.zeros((F,), jnp.float32),
        'Wl': jax.random.normal(ks[2], (1, F), dtype=jnp.float32) * 0.02,
        'bl': jnp.zeros((1,), jnp.float32),
    }


def setup_inputs(seed: int = 0) -> dict:
    key = jax.random.key(seed)
    ks = jax.random.split(key, 10)
    params = {
        'dur': _init_predictor(ks[0]),
        'pitch': _init_predictor(ks[1]),
        'energy': _init_predictor(ks[2]),
        'pitch_emb': jax.random.normal(ks[3], (NB, H), dtype=jnp.float32) * 0.02,
        'energy_emb': jax.random.normal(ks[4], (NB, H), dtype=jnp.float32) * 0.02,
    }
    return {
        'x': jax.random.normal(ks[5], (B, T, H), dtype=jnp.float32),
        'src_mask': jnp.zeros((B, T), dtype=bool),
        'max_len': MAXLEN,
        'pitch_target': jax.random.normal(ks[6], (B, T), dtype=jnp.float32),
        'energy_target': jax.random.normal(ks[7], (B, T), dtype=jnp.float32),
        'duration_target': jax.random.randint(ks[8], (B, T), 0, 8, dtype=jnp.int64 if jax.config.jax_enable_x64 else jnp.int32),
        'params': params,
        'pitch_bins': jnp.linspace(-2.0, 2.0, NB - 1),
        'energy_bins': jnp.linspace(-2.0, 2.0, NB - 1),
    }


def _ln(h, g, b):
    m = h.mean(axis=-1, keepdims=True)
    v = ((h - m) ** 2).mean(axis=-1, keepdims=True)
    return (h - m) / jnp.sqrt(v + 1e-5) * g + b


def _conv1d(h_btc, W, bias, pad):
    h = jnp.transpose(h_btc, (0, 2, 1))
    h = jax.lax.conv_general_dilated(h, W, window_strides=(1,), padding=[(pad, pad)],
                                     dimension_numbers=('NCH', 'OIH', 'NCH'))
    h = h + bias[None, :, None]
    return jnp.transpose(h, (0, 2, 1))


def _variance_predictor(p, x, mask):
    h = _conv1d(x, p['W1'], p['b1'], (K - 1) // 2)
    h = jax.nn.relu(h)
    h = _ln(h, p['g1'], p['be1'])
    # dropout is identity in eval mode
    h = _conv1d(h, p['W2'], p['b2'], 1)
    h = jax.nn.relu(h)
    h = _ln(h, p['g2'], p['be2'])
    out = (h @ p['Wl'].T + p['bl']).squeeze(-1)
    out = jnp.where(mask, 0.0, out)
    return out


def _length_regulate(x, dur, max_len):
    cum = jnp.cumsum(dur, axis=1)  # [B, T]
    mel_len = cum[:, -1]
    t = jnp.arange(MAXLEN)

    def one(xb, cb):
        idx = jnp.searchsorted(cb, t, side='right')
        valid = t < cb[-1]
        idx = jnp.clip(idx, 0, xb.shape[0] - 1)
        return xb[idx] * valid[:, None].astype(xb.dtype)

    out = jax.vmap(one)(x, cum)
    return out, jnp.minimum(mel_len, max_len)


def reference(x, src_mask, max_len, pitch_target, energy_target, duration_target, params, pitch_bins, energy_bins):
    log_duration_prediction = _variance_predictor(params['dur'], x, src_mask)
    pitch_prediction = _variance_predictor(params['pitch'], x, src_mask)
    p_idx = jnp.searchsorted(pitch_bins, pitch_target, side='left')
    pitch_embedding = jnp.take(params['pitch_emb'], p_idx, axis=0)
    x = x + pitch_embedding
    energy_prediction = _variance_predictor(params['energy'], x, src_mask)
    e_idx = jnp.searchsorted(energy_bins, energy_target, side='left')
    energy_embedding = jnp.take(params['energy_emb'], e_idx, axis=0)
    x = x + energy_embedding
    out, mel_len = _length_regulate(x, duration_target, max_len)
    return (out, pitch_prediction, energy_prediction, log_duration_prediction, duration_target, mel_len)

if __name__ == "__main__":
    import jax
    _d = setup_inputs()
    print(jax.jit(kernel)(*tuple(_d.values())))

</pallas_src>

<mosaic_0001>
#map = affine_map<(d0, d1) -> (0, 0)>
module attributes {stable_mosaic.version = 14 : i64} {
  func.func @sc_gather(%arg0: i32, %arg1: i32, %arg2: memref<8448x256xf32, #tpu.memory_space<hbm>>, %arg3: memref<256x128xi32, #tpu.memory_space<hbm>>, %arg4: memref<32768x256xf32, #tpu.memory_space<hbm>>, %arg5: memref<8x128xi32, #tpu.memory_space<vmem>>, %arg6: memref<128x256xf32, #tpu.memory_space<vmem>>, %arg7: memref<128x256xf32, #tpu.memory_space<vmem>>, %arg8: memref<128x256xf32, #tpu.memory_space<vmem>>, %arg9: memref<!tpu.dma_semaphore, #tpu.memory_space<semaphore_mem>>, %arg10: memref<!tpu.dma_semaphore, #tpu.memory_space<semaphore_mem>>, %arg11: memref<!tpu.dma_semaphore, #tpu.memory_space<semaphore_mem>>, %arg12: memref<!tpu.dma_semaphore, #tpu.memory_space<semaphore_mem>>, %arg13: memref<!tpu.dma_semaphore, #tpu.memory_space<semaphore_mem>>, %arg14: memref<!tpu.dma_semaphore, #tpu.memory_space<semaphore_mem>>) attributes {dimension_semantics = [#tpu.dimension_semantics<core_parallel>, #tpu.dimension_semantics<subcore_parallel>], iteration_bounds = array<i64: 2, 16>, scalar_prefetch = 0 : i64, scratch_operands = 10 : i64, tpu.core_type = #tpu.core_type<sc_vector_subcore>, window_params = [{transform_indices = #map}, {transform_indices = #map}, {transform_indices = #map}]} {
    %mul3A = arith.constant 2 : i32
    %mul3A_0 = arith.muli %arg1, %mul3A : i32
    %add3A = arith.addi %mul3A_0, %arg0 : i32
    %mul3A_1 = arith.constant 8 : i32
    %mul3A_2 = arith.muli %add3A, %mul3A_1 : i32
    "tpu.region"() ({
      %run_scoped3A = tpu.sem_alloc : memref<!tpu.dma_semaphore, #tpu.memory_space<semaphore_mem>>
      %dma_start3A_225 = arith.constant 0 : i32
      %dma_start3A_226 = tpu.memref_slice %arg3[%mul3A_2, %dma_start3A_225] : memref<256x128xi32, #tpu.memory_space<hbm>> -> memref<8x128xi32, #tpu.memory_space<hbm>>
      %dma_start3A_227 = arith.constant 0 : i32
      %dma_start3A_228 = tpu.memref_slice %arg3[%mul3A_2, %dma_start3A_227] : memref<256x128xi32, #tpu.memory_space<hbm>> -> memref<8x128xi32, #tpu.memory_space<hbm>>
      tpu.enqueue_dma source(%dma_start3A_228 : memref<8x128xi32, #tpu.memory_space<hbm>>) target(%arg5 : memref<8x128xi32, #tpu.memory_space<vmem>>) target_semaphore(%run_scoped3A : memref<!tpu.dma_semaphore, #tpu.memory_space<semaphore_mem>>)
      %dma_wait3A_229 = arith.constant 0 : i32
      %dma_wait3A_230 = tpu.memref_slice %arg3[%mul3A_2, %dma_wait3A_229] : memref<256x128xi32, #tpu.memory_space<hbm>> -> memref<8x128xi32, #tpu.memory_space<hbm>>
      %dma_wait3A_231 = arith.constant 0 : i32
      %dma_wait3A_232 = tpu.memref_slice %arg3[%mul3A_2, %dma_wait3A_231] : memref<256x128xi32, #tpu.memory_space<hbm>> -> memref<8x128xi32, #tpu.memory_space<hbm>>
      tpu.wait_dma2 semaphore(%run_scoped3A : memref<!tpu.dma_semaphore, #tpu.memory_space<semaphore_mem>>) src(%dma_wait3A_232 : memref<8x128xi32, #tpu.memory_space<hbm>>) dst(%arg5 : memref<8x128xi32, #tpu.memory_space<vmem>>)
      tpu.yield
    }) : () -> ()
    %dma_start3A = arith.constant 0 : i32
    %dma_start3A_3 = arith.constant 0 : i32
    %dma_start3A_4 = tpu.memref_slice %arg5[%dma_start3A, %dma_start3A_3] : memref<8x128xi32, #tpu.memory_space<vmem>> -> memref<1x128xi32, #tpu.memory_space<vmem>>
    %dma_start3A_5 = tpu.memref_squeeze %dma_start3A_4 : memref<1x128xi32, #tpu.memory_space<vmem>> -> memref<128xi32, #tpu.memory_space<vmem>>
    %dma_start3A_6 = arith.constant 0 : i32
    %dma_start3A_7 = arith.constant 0 : i32
    %dma_start3A_8 = tpu.memref_slice %arg2[%dma_start3A_6, %dma_start3A_7] : memref<8448x256xf32, #tpu.memory_space<hbm>> -> memref<8448x256xf32, #tpu.memory_space<hbm>>
    tpu.enqueue_indirect_dma source(%dma_start3A_8 : memref<8448x256xf32, #tpu.memory_space<hbm>>) target(%arg6 : memref<128x256xf32, #tpu.memory_space<vmem>>) offsets(%dma_start3A_5 : memref<128xi32, #tpu.memory_space<vmem>>) semaphore(%arg9 : memref<!tpu.dma_semaphore, #tpu.memory_space<semaphore_mem>>)
    %dma_start3A_9 = arith.constant 1 : i32
    %dma_start3A_10 = arith.constant 0 : i32
    %dma_start3A_11 = tpu.memref_slice %arg5[%dma_start3A_9, %dma_start3A_10] : memref<8x128xi32, #tpu.memory_space<vmem>> -> memref<1x128xi32, #tpu.memory_space<vmem>>
    %dma_start3A_12 = tpu.memref_squeeze %dma_start3A_11 : memref<1x128xi32, #tpu.memory_space<vmem>> -> memref<128xi32, #tpu.memory_space<vmem>>
    %dma_start3A_13 = arith.constant 0 : i32
    %dma_start3A_14 = arith.constant 0 : i32
    %dma_start3A_15 = tpu.memref_slice %arg2[%dma_start3A_13, %dma_start3A_14] : memref<8448x256xf32, #tpu.memory_space<hbm>> -> memref<8448x256xf32, #tpu.memory_space<hbm>>
    tpu.enqueue_indirect_dma source(%dma_start3A_15 : memref<8448x256xf32, #tpu.memory_space<hbm>>) target(%arg7 : memref<128x256xf32, #tpu.memory_space<vmem>>) offsets(%dma_start3A_12 : memref<128xi32, #tpu.memory_space<vmem>>) semaphore(%arg10 : memref<!tpu.dma_semaphore, #tpu.memory_space<semaphore_mem>>)
    %dma_start3A_16 = arith.constant 2 : i32
    %dma_start3A_17 = arith.constant 0 : i32
    %dma_start3A_18 = tpu.memref_slice %arg5[%dma_start3A_16, %dma_start3A_17] : memref<8x128xi32, #tpu.memory_space<vmem>> -> memref<1x128xi32, #tpu.memory_space<vmem>>
    %dma_start3A_19 = tpu.memref_squeeze %dma_start3A_18 : memref<1x128xi32, #tpu.memory_space<vmem>> -> memref<128xi32, #tpu.memory_space<vmem>>
    %dma_start3A_20 = arith.constant 0 : i32
    %dma_start3A_21 = arith.constant 0 : i32
    %dma_start3A_22 = tpu.memref_slice %arg2[%dma_start3A_20, %dma_start3A_21] : memref<8448x256xf32, #tpu.memory_space<hbm>> -> memref<8448x256xf32, #tpu.memory_space<hbm>>
    tpu.enqueue_indirect_dma source(%dma_start3A_22 : memref<8448x256xf32, #tpu.memory_space<hbm>>) target(%arg8 : memref<128x256xf32, #tpu.memory_space<vmem>>) offsets(%dma_start3A_19 : memref<128xi32, #tpu.memory_space<vmem>>) semaphore(%arg11 : memref<!tpu.dma_semaphore, #tpu.memory_space<semaphore_mem>>)
    %dma_wait3A = arith.constant 0 : i32
    %dma_wait3A_23 = arith.constant 0 : i32
    %dma_wait3A_24 = tpu.memref_slice %arg5[%dma_wait3A, %dma_wait3A_23] : memref<8x128xi32, #tpu.memory_space<vmem>> -> memref<1x128xi32, #tpu.memory_space<vmem>>
    %dma_wait3A_25 = tpu.memref_squeeze %dma_wait3A_24 : memref<1x128xi32, #tpu.memory_space<vmem>> -> memref<128xi32, #tpu.memory_space<vmem>>
    %dma_wait3A_26 = arith.constant 0 : i32
    %dma_wait3A_27 = arith.constant 0 : i32
    %dma_wait3A_28 = tpu.memref_slice %arg2[%dma_wait3A_26, %dma_wait3A_27] : memref<8448x256xf32, #tpu.memory_space<hbm>> -> memref<8448x256xf32, #tpu.memory_space<hbm>>
    tpu.wait_indirect_dma semaphore(%arg9 : memref<!tpu.dma_semaphore, #tpu.memory_space<semaphore_mem>>) src(%dma_wait3A_28 : memref<8448x256xf32, #tpu.memory_space<hbm>>) dst(%arg6 : memref<128x256xf32, #tpu.memory_space<vmem>>)
    %mul3A_29 = arith.constant 8 : i32
    %mul3A_30 = arith.muli %add3A, %mul3A_29 : i32
    %add3A_31 = arith.constant 0 : i32
    %add3A_32 = arith.addi %mul3A_30, %add3A_31 : i32
    %mul3A_33 = arith.constant 128 : i32
    %mul3A_34 = arith.muli %add3A_32, %mul3A_33 : i32
    %dma_start3A_35 = arith.constant 0 : i32
    %dma_start3A_36 = tpu.memref_slice %arg4[%mul3A_34, %dma_start3A_35] : memref<32768x256xf32, #tpu.memory_space<hbm>> -> memref<128x256xf32, #tpu.memory_space<hbm>>
    %dma_start3A_37 = arith.constant 0 : i32
    %dma_start3A_38 = tpu.memref_slice %arg4[%mul3A_34, %dma_start3A_37] : memref<32768x256xf32, #tpu.memory_space<hbm>> -> memref<128x256xf32, #tpu.memory_space<hbm>>
    tpu.enqueue_dma source(%arg6 : memref<128x256xf32, #tpu.memory_space<vmem>>) target(%dma_start3A_38 : memref<128x256xf32, #tpu.memory_space<hbm>>) target_semaphore(%arg12 : memref<!tpu.dma_semaphore, #tpu.memory_space<semaphore_mem>>)
    %dma_wait3A_39 = arith.constant 0 : i32
    %dma_wait3A_40 = tpu.memref_slice %arg4[%mul3A_34, %dma_wait3A_39] : memref<32768x256xf32, #tpu.memory_space<hbm>> -> memref<128x256xf32, #tpu.memory_space<hbm>>
    %dma_wait3A_41 = arith.constant 0 : i32
    %dma_wait3A_42 = tpu.memref_slice %arg4[%mul3A_34, %dma_wait3A_41] : memref<32768x256xf32, #tpu.memory_space<hbm>> -> memref<128x256xf32, #tpu.memory_space<hbm>>
    tpu.wait_dma2 semaphore(%arg12 : memref<!tpu.dma_semaphore, #tpu.memory_space<semaphore_mem>>) src(%arg6 : memref<128x256xf32, #tpu.memory_space<vmem>>) dst(%dma_wait3A_42 : memref<128x256xf32, #tpu.memory_space<hbm>>)
    %dma_start3A_43 = arith.constant 3 : i32
    %dma_start3A_44 = arith.constant 0 : i32
    %dma_start3A_45 = tpu.memref_slice %arg5[%dma_start3A_43, %dma_start3A_44] : memref<8x128xi32, #tpu.memory_space<vmem>> -> memref<1x128xi32, #tpu.memory_space<vmem>>
    %dma_start3A_46 = tpu.memref_squeeze %dma_start3A_45 : memref<1x128xi32, #tpu.memory_space<vmem>> -> memref<128xi32, #tpu.memory_space<vmem>>
    %dma_start3A_47 = arith.constant 0 : i32
    %dma_start3A_48 = arith.constant 0 : i32
    %dma_start3A_49 = tpu.memref_slice %arg2[%dma_start3A_47, %dma_start3A_48] : memref<8448x256xf32, #tpu.memory_space<hbm>> -> memref<8448x256xf32, #tpu.memory_space<hbm>>
    tpu.enqueue_indirect_dma source(%dma_start3A_49 : memref<8448x256xf32, #tpu.memory_space<hbm>>) target(%arg6 : memref<128x256xf32, #tpu.memory_space<vmem>>) offsets(%dma_start3A_46 : memref<128xi32, #tpu.memory_space<vmem>>) semaphore(%arg9 : memref<!tpu.dma_semaphore, #tpu.memory_space<semaphore_mem>>)
    %dma_wait3A_50 = arith.constant 1 : i32
    %dma_wait3A_51 = arith.constant 0 : i32
    %dma_wait3A_52 = tpu.memref_slice %arg5[%dma_wait3A_50, %dma_wait3A_51] : memref<8x128xi32, #tpu.memory_space<vmem>> -> memref<1x128xi32, #tpu.memory_space<vmem>>
    %dma_wait3A_53 = tpu.memref_squeeze %dma_wait3A_52 : memref<1x128xi32, #tpu.memory_space<vmem>> -> memref<128xi32, #tpu.memory_space<vmem>>
    %dma_wait3A_54 = arith.constant 0 : i32
    %dma_wait3A_55 = arith.constant 0 : i32
    %dma_wait3A_56 = tpu.memref_slice %arg2[%dma_wait3A_54, %dma_wait3A_55] : memref<8448x256xf32, #tpu.memory_space<hbm>> -> memref<8448x256xf32, #tpu.memory_space<hbm>>
    tpu.wait_indirect_dma semaphore(%arg10 : memref<!tpu.dma_semaphore, #tpu.memory_space<semaphore_mem>>) src(%dma_wait3A_56 : memref<8448x256xf32, #tpu.memory_space<hbm>>) dst(%arg7 : memref<128x256xf32, #tpu.memory_space<vmem>>)
    %mul3A_57 = arith.constant 8 : i32
    %mul3A_58 = arith.muli %add3A, %mul3A_57 : i32
    %add3A_59 = arith.constant 1 : i32
    %add3A_60 = arith.addi %mul3A_58, %add3A_59 : i32
    %mul3A_61 = arith.constant 128 : i32
    %mul3A_62 = arith.muli %add3A_60, %mul3A_61 : i32
    %dma_start3A_63 = arith.constant 0 : i32
    %dma_start3A_64 = tpu.memref_slice %arg4[%mul3A_62, %dma_start3A_63] : memref<32768x256xf32, #tpu.memory_space<hbm>> -> memref<128x256xf32, #tpu.memory_space<hbm>>
    %dma_start3A_65 = arith.constant 0 : i32
    %dma_start3A_66 = tpu.memref_slice %arg4[%mul3A_62, %dma_start3A_65] : memref<32768x256xf32, #tpu.memory_space<hbm>> -> memref<128x256xf32, #tpu.memory_space<hbm>>
    tpu.enqueue_dma source(%arg7 : memref<128x256xf32, #tpu.memory_space<vmem>>) target(%dma_start3A_66 : memref<128x256xf32, #tpu.memory_space<hbm>>) target_semaphore(%arg13 : memref<!tpu.dma_semaphore, #tpu.memory_space<semaphore_mem>>)
    %dma_wait3A_67 = arith.constant 0 : i32
    %dma_wait3A_68 = tpu.memref_slice %arg4[%mul3A_62, %dma_wait3A_67] : memref<32768x256xf32, #tpu.memory_space<hbm>> -> memref<128x256xf32, #tpu.memory_space<hbm>>
    %dma_wait3A_69 = arith.constant 0 : i32
    %dma_wait3A_70 = tpu.memref_slice %arg4[%mul3A_62, %dma_wait3A_69] : memref<32768x256xf32, #tpu.memory_space<hbm>> -> memref<128x256xf32, #tpu.memory_space<hbm>>
    tpu.wait_dma2 semaphore(%arg13 : memref<!tpu.dma_semaphore, #tpu.memory_space<semaphore_mem>>) src(%arg7 : memref<128x256xf32, #tpu.memory_space<vmem>>) dst(%dma_wait3A_70 : memref<128x256xf32, #tpu.memory_space<hbm>>)
    %dma_start3A_71 = arith.constant 4 : i32
    %dma_start3A_72 = arith.constant 0 : i32
    %dma_start3A_73 = tpu.memref_slice %arg5[%dma_start3A_71, %dma_start3A_72] : memref<8x128xi32, #tpu.memory_space<vmem>> -> memref<1x128xi32, #tpu.memory_space<vmem>>
    %dma_start3A_74 = tpu.memref_squeeze %dma_start3A_73 : memref<1x128xi32, #tpu.memory_space<vmem>> -> memref<128xi32, #tpu.memory_space<vmem>>
    %dma_start3A_75 = arith.constant 0 : i32
    %dma_start3A_76 = arith.constant 0 : i32
    %dma_start3A_77 = tpu.memref_slice %arg2[%dma_start3A_75, %dma_start3A_76] : memref<8448x256xf32, #tpu.memory_space<hbm>> -> memref<8448x256xf32, #tpu.memory_space<hbm>>
    tpu.enqueue_indirect_dma source(%dma_start3A_77 : memref<8448x256xf32, #tpu.memory_space<hbm>>) target(%arg7 : memref<128x256xf32, #tpu.memory_space<vmem>>) offsets(%dma_start3A_74 : memref<128xi32, #tpu.memory_space<vmem>>) semaphore(%arg10 : memref<!tpu.dma_semaphore, #tpu.memory_space<semaphore_mem>>)
    %dma_wait3A_78 = arith.constant 2 : i32
    %dma_wait3A_79 = arith.constant 0 : i32
    %dma_wait3A_80 = tpu.memref_slice %arg5[%dma_wait3A_78, %dma_wait3A_79] : memref<8x128xi32, #tpu.memory_space<vmem>> -> memref<1x128xi32, #tpu.memory_space<vmem>>
    %dma_wait3A_81 = tpu.memref_squeeze %dma_wait3A_80 : memref<1x128xi32, #tpu.memory_space<vmem>> -> memref<128xi32, #tpu.memory_space<vmem>>
    %dma_wait3A_82 = arith.constant 0 : i32
    %dma_wait3A_83 = arith.constant 0 : i32
    %dma_wait3A_84 = tpu.memref_slice %arg2[%dma_wait3A_82, %dma_wait3A_83] : memref<8448x256xf32, #tpu.memory_space<hbm>> -> memref<8448x256xf32, #tpu.memory_space<hbm>>
    tpu.wait_indirect_dma semaphore(%arg11 : memref<!tpu.dma_semaphore, #tpu.memory_space<semaphore_mem>>) src(%dma_wait3A_84 : memref<8448x256xf32, #tpu.memory_space<hbm>>) dst(%arg8 : memref<128x256xf32, #tpu.memory_space<vmem>>)
    %mul3A_85 = arith.constant 8 : i32
    %mul3A_86 = arith.muli %add3A, %mul3A_85 : i32
    %add3A_87 = arith.constant 2 : i32
    %add3A_88 = arith.addi %mul3A_86, %add3A_87 : i32
    %mul3A_89 = arith.constant 128 : i32
    %mul3A_90 = arith.muli %add3A_88, %mul3A_89 : i32
    %dma_start3A_91 = arith.constant 0 : i32
    %dma_start3A_92 = tpu.memref_slice %arg4[%mul3A_90, %dma_start3A_91] : memref<32768x256xf32, #tpu.memory_space<hbm>> -> memref<128x256xf32, #tpu.memory_space<hbm>>
    %dma_start3A_93 = arith.constant 0 : i32
    %dma_start3A_94 = tpu.memref_slice %arg4[%mul3A_90, %dma_start3A_93] : memref<32768x256xf32, #tpu.memory_space<hbm>> -> memref<128x256xf32, #tpu.memory_space<hbm>>
    tpu.enqueue_dma source(%arg8 : memref<128x256xf32, #tpu.memory_space<vmem>>) target(%dma_start3A_94 : memref<128x256xf32, #tpu.memory_space<hbm>>) target_semaphore(%arg14 : memref<!tpu.dma_semaphore, #tpu.memory_space<semaphore_mem>>)
    %dma_wait3A_95 = arith.constant 0 : i32
    %dma_wait3A_96 = tpu.memref_slice %arg4[%mul3A_90, %dma_wait3A_95] : memref<32768x256xf32, #tpu.memory_space<hbm>> -> memref<128x256xf32, #tpu.memory_space<hbm>>
    %dma_wait3A_97 = arith.constant 0 : i32
    %dma_wait3A_98 = tpu.memref_slice %arg4[%mul3A_90, %dma_wait3A_97] : memref<32768x256xf32, #tpu.memory_space<hbm>> -> memref<128x256xf32, #tpu.memory_space<hbm>>
    tpu.wait_dma2 semaphore(%arg14 : memref<!tpu.dma_semaphore, #tpu.memory_space<semaphore_mem>>) src(%arg8 : memref<128x256xf32, #tpu.memory_space<vmem>>) dst(%dma_wait3A_98 : memref<128x256xf32, #tpu.memory_space<hbm>>)
    %dma_start3A_99 = arith.constant 5 : i32
    %dma_start3A_100 = arith.constant 0 : i32
    %dma_start3A_101 = tpu.memref_slice %arg5[%dma_start3A_99, %dma_start3A_100] : memref<8x128xi32, #tpu.memory_space<vmem>> -> memref<1x128xi32, #tpu.memory_space<vmem>>
    %dma_start3A_102 = tpu.memref_squeeze %dma_start3A_101 : memref<1x128xi32, #tpu.memory_space<vmem>> -> memref<128xi32, #tpu.memory_space<vmem>>
    %dma_start3A_103 = arith.constant 0 : i32
    %dma_start3A_104 = arith.constant 0 : i32
    %dma_start3A_105 = tpu.memref_slice %arg2[%dma_start3A_103, %dma_start3A_104] : memref<8448x256xf32, #tpu.memory_space<hbm>> -> memref<8448x256xf32, #tpu.memory_space<hbm>>
    tpu.enqueue_indirect_dma source(%dma_start3A_105 : memref<8448x256xf32, #tpu.memory_space<hbm>>) target(%arg8 : memref<128x256xf32, #tpu.memory_space<vmem>>) offsets(%dma_start3A_102 : memref<128xi32, #tpu.memory_space<vmem>>) semaphore(%arg11 : memref<!tpu.dma_semaphore, #tpu.memory_space<semaphore_mem>>)
    %dma_wait3A_106 = arith.constant 3 : i32
    %dma_wait3A_107 = arith.constant 0 : i32
    %dma_wait3A_108 = tpu.memref_slice %arg5[%dma_wait3A_106, %dma_wait3A_107] : memref<8x128xi32, #tpu.memory_space<vmem>> -> memref<1x128xi32, #tpu.memory_space<vmem>>
    %dma_wait3A_109 = tpu.memref_squeeze %dma_wait3A_108 : memref<1x128xi32, #tpu.memory_space<vmem>> -> memref<128xi32, #tpu.memory_space<vmem>>
    %dma_wait3A_110 = arith.constant 0 : i32
    %dma_wait3A_111 = arith.constant 0 : i32
    %dma_wait3A_112 = tpu.memref_slice %arg2[%dma_wait3A_110, %dma_wait3A_111] : memref<8448x256xf32, #tpu.memory_space<hbm>> -> memref<8448x256xf32, #tpu.memory_space<hbm>>
    tpu.wait_indirect_dma semaphore(%arg9 : memref<!tpu.dma_semaphore, #tpu.memory_space<semaphore_mem>>) src(%dma_wait3A_112 : memref<8448x256xf32, #tpu.memory_space<hbm>>) dst(%arg6 : memref<128x256xf32, #tpu.memory_space<vmem>>)
    %mul3A_113 = arith.constant 8 : i32
    %mul3A_114 = arith.muli %add3A, %mul3A_113 : i32
    %add3A_115 = arith.constant 3 : i32
    %add3A_116 = arith.addi %mul3A_114, %add3A_115 : i32
    %mul3A_117 = arith.constant 128 : i32
    %mul3A_118 = arith.muli %add3A_116, %mul3A_117 : i32
    %dma_start3A_119 = arith.constant 0 : i32
    %dma_start3A_120 = tpu.memref_slice %arg4[%mul3A_118, %dma_start3A_119] : memref<32768x256xf32, #tpu.memory_space<hbm>> -> memref<128x256xf32, #tpu.memory_space<hbm>>
    %dma_start3A_121 = arith.constant 0 : i32
    %dma_start3A_122 = tpu.memref_slice %arg4[%mul3A_118, %dma_start3A_121] : memref<32768x256xf32, #tpu.memory_space<hbm>> -> memref<128x256xf32, #tpu.memory_space<hbm>>
    tpu.enqueue_dma source(%arg6 : memref<128x256xf32, #tpu.memory_space<vmem>>) target(%dma_start3A_122 : memref<128x256xf32, #tpu.memory_space<hbm>>) target_semaphore(%arg12 : memref<!tpu.dma_semaphore, #tpu.memory_space<semaphore_mem>>)
    %dma_wait3A_123 = arith.constant 0 : i32
    %dma_wait3A_124 = tpu.memref_slice %arg4[%mul3A_118, %dma_wait3A_123] : memref<32768x256xf32, #tpu.memory_space<hbm>> -> memref<128x256xf32, #tpu.memory_space<hbm>>
    %dma_wait3A_125 = arith.constant 0 : i32
    %dma_wait3A_126 = tpu.memref_slice %arg4[%mul3A_118, %dma_wait3A_125] : memref<32768x256xf32, #tpu.memory_space<hbm>> -> memref<128x256xf32, #tpu.memory_space<hbm>>
    tpu.wait_dma2 semaphore(%arg12 : memref<!tpu.dma_semaphore, #tpu.memory_space<semaphore_mem>>) src(%arg6 : memref<128x256xf32, #tpu.memory_space<vmem>>) dst(%dma_wait3A_126 : memref<128x256xf32, #tpu.memory_space<hbm>>)
    %dma_start3A_127 = arith.constant 6 : i32
    %dma_start3A_128 = arith.constant 0 : i32
    %dma_start3A_129 = tpu.memref_slice %arg5[%dma_start3A_127, %dma_start3A_128] : memref<8x128xi32, #tpu.memory_space<vmem>> -> memref<1x128xi32, #tpu.memory_space<vmem>>
    %dma_start3A_130 = tpu.memref_squeeze %dma_start3A_129 : memref<1x128xi32, #tpu.memory_space<vmem>> -> memref<128xi32, #tpu.memory_space<vmem>>
    %dma_start3A_131 = arith.constant 0 : i32
    %dma_start3A_132 = arith.constant 0 : i32
    %dma_start3A_133 = tpu.memref_slice %arg2[%dma_start3A_131, %dma_start3A_132] : memref<8448x256xf32, #tpu.memory_space<hbm>> -> memref<8448x256xf32, #tpu.memory_space<hbm>>
    tpu.enqueue_indirect_dma source(%dma_start3A_133 : memref<8448x256xf32, #tpu.memory_space<hbm>>) target(%arg6 : memref<128x256xf32, #tpu.memory_space<vmem>>) offsets(%dma_start3A_130 : memref<128xi32, #tpu.memory_space<vmem>>) semaphore(%arg9 : memref<!tpu.dma_semaphore, #tpu.memory_space<semaphore_mem>>)
    %dma_wait3A_134 = arith.constant 4 : i32
    %dma_wait3A_135 = arith.constant 0 : i32
    %dma_wait3A_136 = tpu.memref_slice %arg5[%dma_wait3A_134, %dma_wait3A_135] : memref<8x128xi32, #tpu.memory_space<vmem>> -> memref<1x128xi32, #tpu.memory_space<vmem>>
    %dma_wait3A_137 = tpu.memref_squeeze %dma_wait3A_136 : memref<1x128xi32, #tpu.memory_space<vmem>> -> memref<128xi32, #tpu.memory_space<vmem>>
    %dma_wait3A_138 = arith.constant 0 : i32
    %dma_wait3A_139 = arith.constant 0 : i32
    %dma_wait3A_140 = tpu.memref_slice %arg2[%dma_wait3A_138, %dma_wait3A_139] : memref<8448x256xf32, #tpu.memory_space<hbm>> -> memref<8448x256xf32, #tpu.memory_space<hbm>>
    tpu.wait_indirect_dma semaphore(%arg10 : memref<!tpu.dma_semaphore, #tpu.memory_space<semaphore_mem>>) src(%dma_wait3A_140 : memref<8448x256xf32, #tpu.memory_space<hbm>>) dst(%arg7 : memref<128x256xf32, #tpu.memory_space<vmem>>)
    %mul3A_141 = arith.constant 8 : i32
    %mul3A_142 = arith.muli %add3A, %mul3A_141 : i32
    %add3A_143 = arith.constant 4 : i32
    %add3A_144 = arith.addi %mul3A_142, %add3A_143 : i32
    %mul3A_145 = arith.constant 128 : i32
    %mul3A_146 = arith.muli %add3A_144, %mul3A_145 : i32
    %dma_start3A_147 = arith.constant 0 : i32
    %dma_start3A_148 = tpu.memref_slice %arg4[%mul3A_146, %dma_start3A_147] : memref<32768x256xf32, #tpu.memory_space<hbm>> -> memref<128x256xf32, #tpu.memory_space<hbm>>
    %dma_start3A_149 = arith.constant 0 : i32
    %dma_start3A_150 = tpu.memref_slice %arg4[%mul3A_146, %dma_start3A_149] : memref<32768x256xf32, #tpu.memory_space<hbm>> -> memref<128x256xf32, #tpu.memory_space<hbm>>
    tpu.enqueue_dma source(%arg7 : memref<128x256xf32, #tpu.memory_space<vmem>>) target(%dma_start3A_150 : memref<128x256xf32, #tpu.memory_space<hbm>>) target_semaphore(%arg13 : memref<!tpu.dma_semaphore, #tpu.memory_space<semaphore_mem>>)
    %dma_wait3A_151 = arith.constant 0 : i32
    %dma_wait3A_152 = tpu.memref_slice %arg4[%mul3A_146, %dma_wait3A_151] : memref<32768x256xf32, #tpu.memory_space<hbm>> -> memref<128x256xf32, #tpu.memory_space<hbm>>
    %dma_wait3A_153 = arith.constant 0 : i32
    %dma_wait3A_154 = tpu.memref_slice %arg4[%mul3A_146, %dma_wait3A_153] : memref<32768x256xf32, #tpu.memory_space<hbm>> -> memref<128x256xf32, #tpu.memory_space<hbm>>
    tpu.wait_dma2 semaphore(%arg13 : memref<!tpu.dma_semaphore, #tpu.memory_space<semaphore_mem>>) src(%arg7 : memref<128x256xf32, #tpu.memory_space<vmem>>) dst(%dma_wait3A_154 : memref<128x256xf32, #tpu.memory_space<hbm>>)
    %dma_start3A_155 = arith.constant 7 : i32
    %dma_start3A_156 = arith.constant 0 : i32
    %dma_start3A_157 = tpu.memref_slice %arg5[%dma_start3A_155, %dma_start3A_156] : memref<8x128xi32, #tpu.memory_space<vmem>> -> memref<1x128xi32, #tpu.memory_space<vmem>>
    %dma_start3A_158 = tpu.memref_squeeze %dma_start3A_157 : memref<1x128xi32, #tpu.memory_space<vmem>> -> memref<128xi32, #tpu.memory_space<vmem>>
    %dma_start3A_159 = arith.constant 0 : i32
    %dma_start3A_160 = arith.constant 0 : i32
    %dma_start3A_161 = tpu.memref_slice %arg2[%dma_start3A_159, %dma_start3A_160] : memref<8448x256xf32, #tpu.memory_space<hbm>> -> memref<8448x256xf32, #tpu.memory_space<hbm>>
    tpu.enqueue_indirect_dma source(%dma_start3A_161 : memref<8448x256xf32, #tpu.memory_space<hbm>>) target(%arg7 : memref<128x256xf32, #tpu.memory_space<vmem>>) offsets(%dma_start3A_158 : memref<128xi32, #tpu.memory_space<vmem>>) semaphore(%arg10 : memref<!tpu.dma_semaphore, #tpu.memory_space<semaphore_mem>>)
    %dma_wait3A_162 = arith.constant 5 : i32
    %dma_wait3A_163 = arith.constant 0 : i32
    %dma_wait3A_164 = tpu.memref_slice %arg5[%dma_wait3A_162, %dma_wait3A_163] : memref<8x128xi32, #tpu.memory_space<vmem>> -> memref<1x128xi32, #tpu.memory_space<vmem>>
    %dma_wait3A_165 = tpu.memref_squeeze %dma_wait3A_164 : memref<1x128xi32, #tpu.memory_space<vmem>> -> memref<128xi32, #tpu.memory_space<vmem>>
    %dma_wait3A_166 = arith.constant 0 : i32
    %dma_wait3A_167 = arith.constant 0 : i32
    %dma_wait3A_168 = tpu.memref_slice %arg2[%dma_wait3A_166, %dma_wait3A_167] : memref<8448x256xf32, #tpu.memory_space<hbm>> -> memref<8448x256xf32, #tpu.memory_space<hbm>>
    tpu.wait_indirect_dma semaphore(%arg11 : memref<!tpu.dma_semaphore, #tpu.memory_space<semaphore_mem>>) src(%dma_wait3A_168 : memref<8448x256xf32, #tpu.memory_space<hbm>>) dst(%arg8 : memref<128x256xf32, #tpu.memory_space<vmem>>)
    %mul3A_169 = arith.constant 8 : i32
    %mul3A_170 = arith.muli %add3A, %mul3A_169 : i32
    %add3A_171 = arith.constant 5 : i32
    %add3A_172 = arith.addi %mul3A_170, %add3A_171 : i32
    %mul3A_173 = arith.constant 128 : i32
    %mul3A_174 = arith.muli %add3A_172, %mul3A_173 : i32
    %dma_start3A_175 = arith.constant 0 : i32
    %dma_start3A_176 = tpu.memref_slice %arg4[%mul3A_174, %dma_start3A_175] : memref<32768x256xf32, #tpu.memory_space<hbm>> -> memref<128x256xf32, #tpu.memory_space<hbm>>
    %dma_start3A_177 = arith.constant 0 : i32
    %dma_start3A_178 = tpu.memref_slice %arg4[%mul3A_174, %dma_start3A_177] : memref<32768x256xf32, #tpu.memory_space<hbm>> -> memref<128x256xf32, #tpu.memory_space<hbm>>
    tpu.enqueue_dma source(%arg8 : memref<128x256xf32, #tpu.memory_space<vmem>>) target(%dma_start3A_178 : memref<128x256xf32, #tpu.memory_space<hbm>>) target_semaphore(%arg14 : memref<!tpu.dma_semaphore, #tpu.memory_space<semaphore_mem>>)
    %dma_wait3A_179 = arith.constant 6 : i32
    %dma_wait3A_180 = arith.constant 0 : i32
    %dma_wait3A_181 = tpu.memref_slice %arg5[%dma_wait3A_179, %dma_wait3A_180] : memref<8x128xi32, #tpu.memory_space<vmem>> -> memref<1x128xi32, #tpu.memory_space<vmem>>
    %dma_wait3A_182 = tpu.memref_squeeze %dma_wait3A_181 : memref<1x128xi32, #tpu.memory_space<vmem>> -> memref<128xi32, #tpu.memory_space<vmem>>
    %dma_wait3A_183 = arith.constant 0 : i32
    %dma_wait3A_184 = arith.constant 0 : i32
    %dma_wait3A_185 = tpu.memref_slice %arg2[%dma_wait3A_183, %dma_wait3A_184] : memref<8448x256xf32, #tpu.memory_space<hbm>> -> memref<8448x256xf32, #tpu.memory_space<hbm>>
    tpu.wait_indirect_dma semaphore(%arg9 : memref<!tpu.dma_semaphore, #tpu.memory_space<semaphore_mem>>) src(%dma_wait3A_185 : memref<8448x256xf32, #tpu.memory_space<hbm>>) dst(%arg6 : memref<128x256xf32, #tpu.memory_space<vmem>>)
    %mul3A_186 = arith.constant 8 : i32
    %mul3A_187 = arith.muli %add3A, %mul3A_186 : i32
    %add3A_188 = arith.constant 6 : i32
    %add3A_189 = arith.addi %mul3A_187, %add3A_188 : i32
    %mul3A_190 = arith.constant 128 : i32
    %mul3A_191 = arith.muli %add3A_189, %mul3A_190 : i32
    %dma_start3A_192 = arith.constant 0 : i32
    %dma_start3A_193 = tpu.memref_slice %arg4[%mul3A_191, %dma_start3A_192] : memref<32768x256xf32, #tpu.memory_space<hbm>> -> memref<128x256xf32, #tpu.memory_space<hbm>>
    %dma_start3A_194 = arith.constant 0 : i32
    %dma_start3A_195 = tpu.memref_slice %arg4[%mul3A_191, %dma_start3A_194] : memref<32768x256xf32, #tpu.memory_space<hbm>> -> memref<128x256xf32, #tpu.memory_space<hbm>>
    tpu.enqueue_dma source(%arg6 : memref<128x256xf32, #tpu.memory_space<vmem>>) target(%dma_start3A_195 : memref<128x256xf32, #tpu.memory_space<hbm>>) target_semaphore(%arg12 : memref<!tpu.dma_semaphore, #tpu.memory_space<semaphore_mem>>)
    %dma_wait3A_196 = arith.constant 7 : i32
    %dma_wait3A_197 = arith.constant 0 : i32
    %dma_wait3A_198 = tpu.memref_slice %arg5[%dma_wait3A_196, %dma_wait3A_197] : memref<8x128xi32, #tpu.memory_space<vmem>> -> memref<1x128xi32, #tpu.memory_space<vmem>>
    %dma_wait3A_199 = tpu.memref_squeeze %dma_wait3A_198 : memref<1x128xi32, #tpu.memory_space<vmem>> -> memref<128xi32, #tpu.memory_space<vmem>>
    %dma_wait3A_200 = arith.constant 0 : i32
    %dma_wait3A_201 = arith.constant 0 : i32
    %dma_wait3A_202 = tpu.memref_slice %arg2[%dma_wait3A_200, %dma_wait3A_201] : memref<8448x256xf32, #tpu.memory_space<hbm>> -> memref<8448x256xf32, #tpu.memory_space<hbm>>
    tpu.wait_indirect_dma semaphore(%arg10 : memref<!tpu.dma_semaphore, #tpu.memory_space<semaphore_mem>>) src(%dma_wait3A_202 : memref<8448x256xf32, #tpu.memory_space<hbm>>) dst(%arg7 : memref<128x256xf32, #tpu.memory_space<vmem>>)
    %mul3A_203 = arith.constant 8 : i32
    %mul3A_204 = arith.muli %add3A, %mul3A_203 : i32
    %add3A_205 = arith.constant 7 : i32
    %add3A_206 = arith.addi %mul3A_204, %add3A_205 : i32
    %mul3A_207 = arith.constant 128 : i32
    %mul3A_208 = arith.muli %add3A_206, %mul3A_207 : i32
    %dma_start3A_209 = arith.constant 0 : i32
    %dma_start3A_210 = tpu.memref_slice %arg4[%mul3A_208, %dma_start3A_209] : memref<32768x256xf32, #tpu.memory_space<hbm>> -> memref<128x256xf32, #tpu.memory_space<hbm>>
    %dma_start3A_211 = arith.constant 0 : i32
    %dma_start3A_212 = tpu.memref_slice %arg4[%mul3A_208, %dma_start3A_211] : memref<32768x256xf32, #tpu.memory_space<hbm>> -> memref<128x256xf32, #tpu.memory_space<hbm>>
    tpu.enqueue_dma source(%arg7 : memref<128x256xf32, #tpu.memory_space<vmem>>) target(%dma_start3A_212 : memref<128x256xf32, #tpu.memory_space<hbm>>) target_semaphore(%arg13 : memref<!tpu.dma_semaphore, #tpu.memory_space<semaphore_mem>>)
    %dma_wait3A_213 = arith.constant 0 : i32
    %dma_wait3A_214 = tpu.memref_slice %arg4[%mul3A_174, %dma_wait3A_213] : memref<32768x256xf32, #tpu.memory_space<hbm>> -> memref<128x256xf32, #tpu.memory_space<hbm>>
    %dma_wait3A_215 = arith.constant 0 : i32
    %dma_wait3A_216 = tpu.memref_slice %arg4[%mul3A_174, %dma_wait3A_215] : memref<32768x256xf32, #tpu.memory_space<hbm>> -> memref<128x256xf32, #tpu.memory_space<hbm>>
    tpu.wait_dma2 semaphore(%arg14 : memref<!tpu.dma_semaphore, #tpu.memory_space<semaphore_mem>>) src(%arg8 : memref<128x256xf32, #tpu.memory_space<vmem>>) dst(%dma_wait3A_216 : memref<128x256xf32, #tpu.memory_space<hbm>>)
    %dma_wait3A_217 = arith.constant 0 : i32
    %dma_wait3A_218 = tpu.memref_slice %arg4[%mul3A_191, %dma_wait3A_217] : memref<32768x256xf32, #tpu.memory_space<hbm>> -> memref<128x256xf32, #tpu.memory_space<hbm>>
    %dma_wait3A_219 = arith.constant 0 : i32
    %dma_wait3A_220 = tpu.memref_slice %arg4[%mul3A_191, %dma_wait3A_219] : memref<32768x256xf32, #tpu.memory_space<hbm>> -> memref<128x256xf32, #tpu.memory_space<hbm>>
    tpu.wait_dma2 semaphore(%arg12 : memref<!tpu.dma_semaphore, #tpu.memory_space<semaphore_mem>>) src(%arg6 : memref<128x256xf32, #tpu.memory_space<vmem>>) dst(%dma_wait3A_220 : memref<128x256xf32, #tpu.memory_space<hbm>>)
    %dma_wait3A_221 = arith.constant 0 : i32
    %dma_wait3A_222 = tpu.memref_slice %arg4[%mul3A_208, %dma_wait3A_221] : memref<32768x256xf32, #tpu.memory_space<hbm>> -> memref<128x256xf32, #tpu.memory_space<hbm>>
    %dma_wait3A_223 = arith.constant 0 : i32
    %dma_wait3A_224 = tpu.memref_slice %arg4[%mul3A_208, %dma_wait3A_223] : memref<32768x256xf32, #tpu.memory_space<hbm>> -> memref<128x256xf32, #tpu.memory_space<hbm>>
    tpu.wait_dma2 semaphore(%arg13 : memref<!tpu.dma_semaphore, #tpu.memory_space<semaphore_mem>>) src(%arg7 : memref<128x256xf32, #tpu.memory_space<vmem>>) dst(%dma_wait3A_224 : memref<128x256xf32, #tpu.memory_space<hbm>>)
    return
  }
}

module attributes {stable_mosaic.version = 14 : i64} {
  func.func @_embed_body(%arg0: i32, %arg1: memref<1x512x256xf32, #tpu.memory_space<vmem>>, %arg2: memref<1x512x1xf32, #tpu.memory_space<vmem>>, %arg3: memref<1x512x1xf32, #tpu.memory_space<vmem>>, %arg4: memref<1x1x512xi32, #tpu.memory_space<vmem>>, %arg5: memref<512x256xf32, #tpu.memory_space<vmem>>, %arg6: memref<2x256xf32, #tpu.memory_space<vmem>>, %arg7: memref<8x128xbf16, #tpu.memory_space<vmem>>, %arg8: memref<8x128xf32, #tpu.memory_space<vmem>>, %arg9: memref<1x512x256xbf16, #tpu.memory_space<vmem>>, %arg10: memref<1x512x256xbf16, #tpu.memory_space<vmem>>, %arg11: memref<528x256xf32, #tpu.memory_space<vmem>>, %arg12: memref<16x128xi32, #tpu.memory_space<vmem>>, %arg13: memref<1x1x128xi32, #tpu.memory_space<vmem>>) attributes {dimension_semantics = [#tpu.dimension_semantics<arbitrary>], iteration_bounds = array<i64: 16>, scalar_prefetch = 0 : i64, scratch_operands = 0 : i64, tpu.core_type = #tpu.core_type<tc>, window_params = [{transform_indices = @transform_0, window_bounds = array<i64: 1, 512, 256>}, {transform_indices = @transform_1, window_bounds = array<i64: 1, 512, 1>}, {transform_indices = @transform_2, window_bounds = array<i64: 1, 512, 1>}, {transform_indices = @transform_3, window_bounds = array<i64: 1, 1, 512>}, {pipeline_mode = #tpu.pipeline_mode<synchronous>, transform_indices = @transform_4, window_bounds = array<i64: 512, 256>}, {pipeline_mode = #tpu.pipeline_mode<synchronous>, transform_indices = @transform_5, window_bounds = array<i64: 2, 256>}, {transform_indices = @transform_6, window_bounds = array<i64: 8, 128>}, {transform_indices = @transform_7, window_bounds = array<i64: 8, 128>}, {transform_indices = @transform_8, window_bounds = array<i64: 1, 512, 256>}, {transform_indices = @transform_9, window_bounds = array<i64: 1, 512, 256>}, {transform_indices = @transform_10, window_bounds = array<i64: 528, 256>}, {transform_indices = @transform_11, window_bounds = array<i64: 16, 128>}, {transform_indices = @transform_12, window_bounds = array<i64: 1, 1, 128>}]} {
    %get3A = arith.constant 0 : index
    %get3A_0 = arith.constant 0 : index
    %get3A_1 = arith.constant 0 : index
    %get3A_2 = vector.load %arg1[%get3A, %get3A_0, %get3A_1] : memref<1x512x256xf32, #tpu.memory_space<vmem>>, vector<1x512x256xf32>
    %get3A_3 = vector.shape_cast %get3A_2 : vector<1x512x256xf32> to vector<512x256xf32>
    %get3A_4 = arith.constant 0 : index
    %get3A_5 = arith.constant 0 : index
    %get3A_6 = arith.constant 0 : index
    %get3A_7 = vector.load %arg2[%get3A_4, %get3A_5, %get3A_6] : memref<1x512x1xf32, #tpu.memory_space<vmem>>, vector<1x512x1xf32>
    %get3A_8 = vector.shape_cast %get3A_7 : vector<1x512x1xf32> to vector<512x1xf32>
    %get3A_9 = arith.constant 0 : index
    %get3A_10 = arith.constant 0 : index
    %get3A_11 = arith.constant 0 : index
    %get3A_12 = vector.load %arg3[%get3A_9, %get3A_10, %get3A_11] : memref<1x512x1xf32, #tpu.memory_space<vmem>>, vector<1x512x1xf32>
    %get3A_13 = vector.shape_cast %get3A_12 : vector<1x512x1xf32> to vector<512x1xf32>
    %get3A_14 = arith.constant 0 : index
    %get3A_15 = arith.constant 0 : index
    %get3A_16 = arith.constant 0 : index
    %get3A_17 = vector.load %arg4[%get3A_14, %get3A_15, %get3A_16] : memref<1x1x512xi32, #tpu.memory_space<vmem>>, vector<1x1x512xi32>
    %get3A_18 = vector.shape_cast %get3A_17 : vector<1x1x512xi32> to vector<1x512xi32>
    %get3A_19 = arith.constant 0 : index
    %get3A_20 = arith.constant 0 : index
    %get3A_21 = vector.load %arg6[%get3A_19, %get3A_20] : memref<2x256xf32, #tpu.memory_space<vmem>>, vector<1x256xf32>
    %get3A_22 = arith.constant 0 : index
    %get3A_23 = arith.constant 0 : index
    %get3A_24 = vector.load %arg5[%get3A_22, %get3A_23] : memref<512x256xf32, #tpu.memory_space<vmem>>, vector<256x256xf32>
    %lt3A = vector.broadcast %get3A_21 : vector<1x256xf32> to vector<512x256xf32>
    %lt3A_25 = vector.broadcast %get3A_8 : vector<512x1xf32> to vector<512x256xf32>
    %lt3A_26 = arith.cmpf olt, %lt3A, %lt3A_25 : vector<512x256xf32>
    %convert_element_type3A = arith.extui %lt3A_26 : vector<512x256xi1> to vector<512x256xi32>
    %reduce_sum3A = arith.constant dense<0> : vector<512xi32>
    %reduce_sum3A_27 = vector.multi_reduction <add>, %convert_element_type3A, %reduce_sum3A [1] : vector<512x256xi32> to vector<512xi32>
    %broadcast_in_dim3A = vector.shape_cast %reduce_sum3A_27 : vector<512xi32> to vector<512x1xi32>
    %iota3A = tpu.iota {dimensions = array<i32: 1>} : vector<512x256xi32>
    %eq3A = vector.broadcast %broadcast_in_dim3A : vector<512x1xi32> to vector<512x256xi32>
    %eq3A_28 = arith.cmpi eq, %iota3A, %eq3A : vector<512x256xi32>
    %convert_element_type3A_29 = arith.extui %eq3A_28 : vector<512x256xi1> to vector<512x256xi32>
    %convert_element_type3A_30 = arith.sitofp %convert_element_type3A_29 : vector<512x256xi32> to vector<512x256xf32>
    %dot_general3A = arith.constant dense<0.000000e+00> : vector<512x256xf32>
    %dot_general3A_31 = tpu.matmul %convert_element_type3A_30, %get3A_24, %dot_general3A {dimension_numbers = #tpu.dot_dimension_numbers<[1], [0], [0], [1], [0, 0, 1, 1], [], []>, transpose_lhs_hint = false} : vector<512x256xf32>, vector<256x256xf32>, vector<512x256xf32> -> vector<512x256xf32>
    %add3A = arith.addf %get3A_3, %dot_general3A_31 : vector<512x256xf32>
    %get3A_32 = arith.constant 1 : index
    %get3A_33 = arith.constant 0 : index
    %get3A_34 = vector.load %arg6[%get3A_32, %get3A_33] : memref<2x256xf32, #tpu.memory_space<vmem>>, vector<1x256xf32>
    %get3A_35 = arith.constant 256 : index
    %get3A_36 = arith.constant 0 : index
    %get3A_37 = vector.load %arg5[%get3A_35, %get3A_36] : memref<512x256xf32, #tpu.memory_space<vmem>>, vector<256x256xf32>
    %lt3A_38 = vector.broadcast %get3A_34 : vector<1x256xf32> to vector<512x256xf32>
    %lt3A_39 = vector.broadcast %get3A_13 : vector<512x1xf32> to vector<512x256xf32>
    %lt3A_40 = arith.cmpf olt, %lt3A_38, %lt3A_39 : vector<512x256xf32>
    %convert_element_type3A_41 = arith.extui %lt3A_40 : vector<512x256xi1> to vector<512x256xi32>
    %reduce_sum3A_42 = arith.constant dense<0> : vector<512xi32>
    %reduce_sum3A_43 = vector.multi_reduction <add>, %convert_element_type3A_41, %reduce_sum3A_42 [1] : vector<512x256xi32> to vector<512xi32>
    %broadcast_in_dim3A_44 = vector.shape_cast %reduce_sum3A_43 : vector<512xi32> to vector<512x1xi32>
    %iota3A_45 = tpu.iota {dimensions = array<i32: 1>} : vector<512x256xi32>
    %eq3A_46 = vector.broadcast %broadcast_in_dim3A_44 : vector<512x1xi32> to vector<512x256xi32>
    %eq3A_47 = arith.cmpi eq, %iota3A_45, %eq3A_46 : vector<512x256xi32>
    %convert_element_type3A_48 = arith.extui %eq3A_47 : vector<512x256xi1> to vector<512x256xi32>
    %convert_element_type3A_49 = arith.sitofp %convert_element_type3A_48 : vector<512x256xi32> to vector<512x256xf32>
    %dot_general3A_50 = arith.constant dense<0.000000e+00> : vector<512x256xf32>
    %dot_general3A_51 = tpu.matmul %convert_element_type3A_49, %get3A_37, %dot_general3A_50 {dimension_numbers = #tpu.dot_dimension_numbers<[1], [0], [0], [1], [0, 0, 1, 1], [], []>, transpose_lhs_hint = false} : vector<512x256xf32>, vector<256x256xf32>, vector<512x256xf32> -> vector<512x256xf32>
    %add3A_52 = arith.addf %add3A, %dot_general3A_51 : vector<512x256xf32>
    %convert_element_type3A_53 = arith.truncf %get3A_3 : vector<512x256xf32> to vector<512x256xbf16>
    %swap3A = arith.constant 0 : index
    %swap3A_54 = arith.constant 0 : index
    %swap3A_55 = arith.constant 0 : index
    %swap3A_56 = vector.load %arg9[%swap3A, %swap3A_54, %swap3A_55] : memref<1x512x256xbf16, #tpu.memory_space<vmem>>, vector<1x512x256xbf16>
    %swap3A_57 = vector.shape_cast %swap3A_56 : vector<1x512x256xbf16> to vector<512x256xbf16>
    %swap3A_58 = vector.shape_cast %convert_element_type3A_53 : vector<512x256xbf16> to vector<1x512x256xbf16>
    tpu.vector_store %arg9[%swap3A, %swap3A_54, %swap3A_55], %swap3A_58 {strides = array<i32>} : memref<1x512x256xbf16, #tpu.memory_space<vmem>>, vector<1x512x256xbf16>,
    %convert_element_type3A_59 = arith.truncf %add3A : vector<512x256xf32> to vector<512x256xbf16>
    %swap3A_60 = arith.constant 0 : index
    %swap3A_61 = arith.constant 0 : index
    %swap3A_62 = arith.constant 0 : index
    %swap3A_63 = vector.load %arg10[%swap3A_60, %swap3A_61, %swap3A_62] : memref<1x512x256xbf16, #tpu.memory_space<vmem>>, vector<1x512x256xbf16>
    %swap3A_64 = vector.shape_cast %swap3A_63 : vector<1x512x256xbf16> to vector<512x256xbf16>
    %swap3A_65 = vector.shape_cast %convert_element_type3A_59 : vector<512x256xbf16> to vector<1x512x256xbf16>
    tpu.vector_store %arg10[%swap3A_60, %swap3A_61, %swap3A_62], %swap3A_65 {strides = array<i32>} : memref<1x512x256xbf16, #tpu.memory_space<vmem>>, vector<1x512x256xbf16>,
    %broadcast_in_dim3A_66 = arith.constant 0.000000e+00 : f32
    %broadcast_in_dim3A_67 = vector.broadcast %broadcast_in_dim3A_66 : f32 to vector<16x256xf32>
    %concatenate3A = tpu.concatenate %add3A_52, %broadcast_in_dim3A_67 in 0 : vector<512x256xf32>, vector<16x256xf32> -> vector<528x256xf32>
    %swap3A_68 = arith.constant 0 : index
    %swap3A_69 = arith.constant 0 : index
    %swap3A_70 = vector.load %arg11[%swap3A_68, %swap3A_69] : memref<528x256xf32, #tpu.memory_space<vmem>>, vector<528x256xf32>
    tpu.vector_store %arg11[%swap3A_68, %swap3A_69], %concatenate3A {strides = array<i32>} : memref<528x256xf32, #tpu.memory_space<vmem>>, vector<528x256xf32>,
    %iota3A_71 = tpu.iota {dimensions = array<i32: 1>} : vector<512x512xi32>
    %iota3A_72 = tpu.iota {dimensions = array<i32: 0>} : vector<512x512xi32>
    %le3A = arith.cmpi sle, %iota3A_71, %iota3A_72 : vector<512x512xi32>
    %jit3A = arith.constant 0 : i32
    %broadcast_in_dim3A_73 = vector.shape_cast %get3A_18 : vector<1x512xi32> to vector<1x512xi32>
    %broadcast_in_dim3A_74 = vector.broadcast %broadcast_in_dim3A_73 : vector<1x512xi32> to vector<512x512xi32>
    %broadcast_in_dim3A_75 = vector.broadcast %jit3A : i32 to vector<512x512xi32>
    %select_n3A = arith.select %le3A, %broadcast_in_dim3A_74, %broadcast_in_dim3A_75 : vector<512x512xi1>, vector<512x512xi32>
    %reduce_sum3A_76 = arith.constant dense<0> : vector<512xi32>
    %reduce_sum3A_77 = vector.multi_reduction <add>, %select_n3A, %reduce_sum3A_76 [1] : vector<512x512xi32> to vector<512xi32>
    %broadcast_in_dim3A_78 = vector.shape_cast %reduce_sum3A_77 : vector<512xi32> to vector<512x1xi32>
    %iota3A_79 = tpu.iota {dimensions = array<i32: 1>} : vector<1x2048xi32>
    %le3A_80 = vector.broadcast %broadcast_in_dim3A_78 : vector<512x1xi32> to vector<512x2048xi32>
    %le3A_81 = vector.broadcast %iota3A_79 : vector<1x2048xi32> to vector<512x2048xi32>
    %le3A_82 = arith.cmpi sle, %le3A_80, %le3A_81 : vector<512x2048xi32>
    %convert_element_type3A_83 = arith.extui %le3A_82 : vector<512x2048xi1> to vector<512x2048xi32>
    %reduce_sum3A_84 = arith.constant dense<0> : vector<2048xi32>
    %reduce_sum3A_85 = vector.multi_reduction <add>, %convert_element_type3A_83, %reduce_sum3A_84 [0] : vector<512x2048xi32> to vector<2048xi32>
    %broadcast_in_dim3A_86 = vector.shape_cast %reduce_sum3A_85 : vector<2048xi32> to vector<1x2048xi32>
    %slice3A = vector.extract_strided_slice %broadcast_in_dim3A_78 {offsets = [511, 0], sizes = [1, 1], strides = [1, 1]} : vector<512x1xi32> to vector<1x1xi32>
    %and3A = arith.constant 15 : i32
    %and3A_87 = vector.broadcast %and3A : i32 to vector<1x2048xi32>
    %and3A_88 = arith.andi %iota3A_79, %and3A_87 : vector<1x2048xi32>
    %add3A_89 = arith.constant 512 : i32
    %add3A_90 = vector.broadcast %add3A_89 : i32 to vector<1x2048xi32>
    %add3A_91 = arith.addi %add3A_90, %and3A_88 : vector<1x2048xi32>
    %mul3A = arith.constant 528 : i32
    %mul3A_92 = arith.muli %arg0, %mul3A : i32
    %lt3A_93 = vector.broadcast %slice3A : vector<1x1xi32> to vector<1x2048xi32>
    %lt3A_94 = arith.cmpi slt, %iota3A_79, %lt3A_93 : vector<1x2048xi32>
    %select_n3A_95 = arith.select %lt3A_94, %broadcast_in_dim3A_86, %add3A_91 : vector<1x2048xi1>, vector<1x2048xi32>
    %add3A_96 = vector.broadcast %mul3A_92 : i32 to vector<1x2048xi32>
    %add3A_97 = arith.addi %add3A_96, %select_n3A_95 : vector<1x2048xi32>
    %reshape3A = vector.shape_cast %add3A_97 : vector<1x2048xi32> to vector<16x128xi32>
    %swap3A_98 = arith.constant 0 : index
    %swap3A_99 = arith.constant 0 : index
    %swap3A_100 = vector.load %arg12[%swap3A_98, %swap3A_99] : memref<16x128xi32, #tpu.memory_space<vmem>>, vector<16x128xi32>
    tpu.vector_store %arg12[%swap3A_98, %swap3A_99], %reshape3A {strides = array<i32>} : memref<16x128xi32, #tpu.memory_space<vmem>>, vector<16x128xi32>,
    %broadcast_in_dim3A_101 = vector.shape_cast %slice3A : vector<1x1xi32> to vector<1x1xi32>
    %broadcast_in_dim3A_102 = vector.broadcast %broadcast_in_dim3A_101 : vector<1x1xi32> to vector<1x128xi32>
    %swap3A_103 = arith.constant 0 : index
    %swap3A_104 = arith.constant 0 : index
    %swap3A_105 = arith.constant 0 : index
    %swap3A_106 = vector.load %arg13[%swap3A_103, %swap3A_104, %swap3A_105] : memref<1x1x128xi32, #tpu.memory_space<vmem>>, vector<1x1x128xi32>
    %swap3A_107 = vector.shape_cast %swap3A_106 : vector<1x1x128xi32> to vector<1x128xi32>
    %swap3A_108 = vector.shape_cast %broadcast_in_dim3A_102 : vector<1x128xi32> to vector<1x1x128xi32>
    tpu.vector_store %arg13[%swap3A_103, %swap3A_104, %swap3A_105], %swap3A_108 {strides = array<i32>} : memref<1x1x128xi32, #tpu.memory_space<vmem>>, vector<1x1x128xi32>,
    return
  }
  func.func @transform_0(%arg0: i32) -> (i32, i32, i32) {
    %c0_i32 = arith.constant 0 : i32
    %c0_i32_0 = arith.constant 0 : i32
    %c0_i32_1 = arith.constant 0 : i32
    return %arg0, %c0_i32, %c0_i32_0 : i32, i32, i32
  }
  func.func @transform_1(%arg0: i32) -> (i32, i32, i32) {
    %c0_i32 = arith.constant 0 : i32
    %c0_i32_0 = arith.constant 0 : i32
    %c0_i32_1 = arith.constant 0 : i32
    return %arg0, %c0_i32, %c0_i32_0 : i32, i32, i32
  }
  func.func @transform_2(%arg0: i32) -> (i32, i32, i32) {
    %c0_i32 = arith.constant 0 : i32
    %c0_i32_0 = arith.constant 0 : i32
    %c0_i32_1 = arith.constant 0 : i32
    return %arg0, %c0_i32, %c0_i32_0 : i32, i32, i32
  }
  func.func @transform_3(%arg0: i32) -> (i32, i32, i32) {
    %c0_i32 = arith.constant 0 : i32
    %c0_i32_0 = arith.constant 0 : i32
    %c0_i32_1 = arith.constant 0 : i32
    return %arg0, %c0_i32, %c0_i32_0 : i32, i32, i32
  }
  func.func @transform_4(%arg0: i32) -> (i32, i32) {
    %c0_i32 = arith.constant 0 : i32
    %c0_i32_0 = arith.constant 0 : i32
    %c0_i32_1 = arith.constant 0 : i32
    return %c0_i32, %c0_i32_0 : i32, i32
  }
  func.func @transform_5(%arg0: i32) -> (i32, i32) {
    %c0_i32 = arith.constant 0 : i32
    %c0_i32_0 = arith.constant 0 : i32
    %c0_i32_1 = arith.constant 0 : i32
    return %c0_i32, %c0_i32_0 : i32, i32
  }
  func.func @transform_6(%arg0: i32) -> (i32, i32) {
    %c0_i32 = arith.constant 0 : i32
    %c0_i32_0 = arith.constant 0 : i32
    %c0_i32_1 = arith.constant 0 : i32
    return %c0_i32, %c0_i32_0 : i32, i32
  }
  func.func @transform_7(%arg0: i32) -> (i32, i32) {
    %c0_i32 = arith.constant 0 : i32
    %c0_i32_0 = arith.constant 0 : i32
    %c0_i32_1 = arith.constant 0 : i32
    return %c0_i32, %c0_i32_0 : i32, i32
  }
  func.func @transform_8(%arg0: i32) -> (i32, i32, i32) {
    %c0_i32 = arith.constant 0 : i32
    %c0_i32_0 = arith.constant 0 : i32
    %c0_i32_1 = arith.constant 0 : i32
    return %arg0, %c0_i32, %c0_i32_0 : i32, i32, i32
  }
  func.func @transform_9(%arg0: i32) -> (i32, i32, i32) {
    %c0_i32 = arith.constant 0 : i32
    %c0_i32_0 = arith.constant 0 : i32
    %c0_i32_1 = arith.constant 0 : i32
    return %arg0, %c0_i32, %c0_i32_0 : i32, i32, i32
  }
  func.func @transform_10(%arg0: i32) -> (i32, i32) {
    %c0_i32 = arith.constant 0 : i32
    %c0_i32_0 = arith.constant 0 : i32
    return %arg0, %c0_i32 : i32, i32
  }
  func.func @transform_11(%arg0: i32) -> (i32, i32) {
    %c0_i32 = arith.constant 0 : i32
    %c0_i32_0 = arith.constant 0 : i32
    return %arg0, %c0_i32 : i32, i32
  }
  func.func @transform_12(%arg0: i32) -> (i32, i32, i32) {
    %c0_i32 = arith.constant 0 : i32
    %c0_i32_0 = arith.constant 0 : i32
    %c0_i32_1 = arith.constant 0 : i32
    return %arg0, %c0_i32, %c0_i32_0 : i32, i32, i32
  }
}

module attributes {stable_mosaic.version = 14 : i64} {
  func.func @_pred_body(%arg0: i32, %arg1: memref<1x512x256xbf16, #tpu.memory_space<vmem>>, %arg2: memref<1x512x256xbf16, #tpu.memory_space<vmem>>, %arg3: memref<1x512x1xf32, #tpu.memory_space<vmem>>, %arg4: memref<4608x256xbf16, #tpu.memory_space<vmem>>, %arg5: memref<24x256xf32, #tpu.memory_space<vmem>>, %arg6: memref<1x512x8xf32, #tpu.memory_space<vmem>>) attributes {dimension_semantics = [#tpu.dimension_semantics<arbitrary>], iteration_bounds = array<i64: 16>, scalar_prefetch = 0 : i64, scratch_operands = 0 : i64, tpu.core_type = #tpu.core_type<tc>, window_params = [{transform_indices = @transform_0, window_bounds = array<i64: 1, 512, 256>}, {transform_indices = @transform_1, window_bounds = array<i64: 1, 512, 256>}, {transform_indices = @transform_2, window_bounds = array<i64: 1, 512, 1>}, {pipeline_mode = #tpu.pipeline_mode<synchronous>, transform_indices = @transform_3, window_bounds = array<i64: 4608, 256>}, {pipeline_mode = #tpu.pipeline_mode<synchronous>, transform_indices = @transform_4, window_bounds = array<i64: 24, 256>}, {transform_indices = @transform_5, window_bounds = array<i64: 1, 512, 8>}]} {
    %get3A = arith.constant 0 : index
    %get3A_0 = arith.constant 0 : index
    %get3A_1 = arith.constant 0 : index
    %get3A_2 = vector.load %arg1[%get3A, %get3A_0, %get3A_1] : memref<1x512x256xbf16, #tpu.memory_space<vmem>>, vector<1x512x256xbf16>
    %get3A_3 = vector.shape_cast %get3A_2 : vector<1x512x256xbf16> to vector<512x256xbf16>
    %get3A_4 = arith.constant 0 : index
    %get3A_5 = arith.constant 0 : index
    %get3A_6 = arith.constant 0 : index
    %get3A_7 = vector.load %arg2[%get3A_4, %get3A_5, %get3A_6] : memref<1x512x256xbf16, #tpu.memory_space<vmem>>, vector<1x512x256xbf16>
    %get3A_8 = vector.shape_cast %get3A_7 : vector<1x512x256xbf16> to vector<512x256xbf16>
    %get3A_9 = arith.constant 0 : index
    %get3A_10 = arith.constant 0 : index
    %get3A_11 = arith.constant 0 : index
    %get3A_12 = vector.load %arg3[%get3A_9, %get3A_10, %get3A_11] : memref<1x512x1xf32, #tpu.memory_space<vmem>>, vector<1x512x1xf32>
    %get3A_13 = vector.shape_cast %get3A_12 : vector<1x512x1xf32> to vector<512x1xf32>
    %broadcast_in_dim3A = arith.constant 0.000000e+00 : bf16
    %broadcast_in_dim3A_14 = vector.broadcast %broadcast_in_dim3A : bf16 to vector<1x256xbf16>
    %slice3A = vector.extract_strided_slice %get3A_3 {offsets = [0, 0], sizes = [511, 256], strides = [1, 1]} : vector<512x256xbf16> to vector<511x256xbf16>
    %concatenate3A = tpu.concatenate %broadcast_in_dim3A_14, %slice3A in 0 : vector<1x256xbf16>, vector<511x256xbf16> -> vector<512x256xbf16>
    %slice3A_15 = vector.extract_strided_slice %get3A_3 {offsets = [1, 0], sizes = [511, 256], strides = [1, 1]} : vector<512x256xbf16> to vector<511x256xbf16>
    %concatenate3A_16 = tpu.concatenate %slice3A_15, %broadcast_in_dim3A_14 in 0 : vector<511x256xbf16>, vector<1x256xbf16> -> vector<512x256xbf16>
    %get3A_17 = arith.constant 0 : index
    %get3A_18 = arith.constant 0 : index
    %get3A_19 = vector.load %arg4[%get3A_17, %get3A_18] : memref<4608x256xbf16, #tpu.memory_space<vmem>>, vector<256x256xbf16>
    %dot_general3A = arith.constant dense<0.000000e+00> : vector<512x256xf32>
    %dot_general3A_20 = tpu.matmul %concatenate3A, %get3A_19, %dot_general3A {dimension_numbers = #tpu.dot_dimension_numbers<[1], [0], [0], [1], [0, 0, 1, 1], [], []>, transpose_lhs_hint = false} : vector<512x256xbf16>, vector<256x256xbf16>, vector<512x256xf32> -> vector<512x256xf32>
    %get3A_21 = arith.constant 256 : index
    %get3A_22 = arith.constant 0 : index
    %get3A_23 = vector.load %arg4[%get3A_21, %get3A_22] : memref<4608x256xbf16, #tpu.memory_space<vmem>>, vector<256x256xbf16>
    %dot_general3A_24 = arith.constant dense<0.000000e+00> : vector<512x256xf32>
    %dot_general3A_25 = tpu.matmul %get3A_3, %get3A_23, %dot_general3A_24 {dimension_numbers = #tpu.dot_dimension_numbers<[1], [0], [0], [1], [0, 0, 1, 1], [], []>, transpose_lhs_hint = false} : vector<512x256xbf16>, vector<256x256xbf16>, vector<512x256xf32> -> vector<512x256xf32>
    %add3A = arith.addf %dot_general3A_20, %dot_general3A_25 : vector<512x256xf32>
    %get3A_26 = arith.constant 512 : index
    %get3A_27 = arith.constant 0 : index
    %get3A_28 = vector.load %arg4[%get3A_26, %get3A_27] : memref<4608x256xbf16, #tpu.memory_space<vmem>>, vector<256x256xbf16>
    %dot_general3A_29 = arith.constant dense<0.000000e+00> : vector<512x256xf32>
    %dot_general3A_30 = tpu.matmul %concatenate3A_16, %get3A_28, %dot_general3A_29 {dimension_numbers = #tpu.dot_dimension_numbers<[1], [0], [0], [1], [0, 0, 1, 1], [], []>, transpose_lhs_hint = false} : vector<512x256xbf16>, vector<256x256xbf16>, vector<512x256xf32> -> vector<512x256xf32>
    %add3A_31 = arith.addf %add3A, %dot_general3A_30 : vector<512x256xf32>
    %get3A_32 = arith.constant 0 : index
    %get3A_33 = arith.constant 0 : index
    %get3A_34 = vector.load %arg5[%get3A_32, %get3A_33] : memref<24x256xf32, #tpu.memory_space<vmem>>, vector<1x256xf32>
    %add3A_35 = vector.broadcast %get3A_34 : vector<1x256xf32> to vector<512x256xf32>
    %add3A_36 = arith.addf %add3A_31, %add3A_35 : vector<512x256xf32>
    %max3A = arith.constant 0.000000e+00 : f32
    %max3A_37 = vector.broadcast %max3A : f32 to vector<512x256xf32>
    %max3A_38 = arith.maximumf %add3A_36, %max3A_37 : vector<512x256xf32>
    %reduce_sum3A = arith.constant dense<0.000000e+00> : vector<512xf32>
    %reduce_sum3A_39 = vector.multi_reduction <add>, %max3A_38, %reduce_sum3A [1] : vector<512x256xf32> to vector<512xf32>
    %broadcast_in_dim3A_40 = vector.shape_cast %reduce_sum3A_39 : vector<512xf32> to vector<512x1xf32>
    %div3A = arith.constant 2.560000e+02 : f32
    %div3A_41 = vector.broadcast %div3A : f32 to vector<512x1xf32>
    %div3A_42 = arith.divf %broadcast_in_dim3A_40, %div3A_41 : vector<512x1xf32>
    %mul3A = arith.mulf %max3A_38, %max3A_38 : vector<512x256xf32>
    %reduce_sum3A_43 = arith.constant dense<0.000000e+00> : vector<512xf32>
    %reduce_sum3A_44 = vector.multi_reduction <add>, %mul3A, %reduce_sum3A_43 [1] : vector<512x256xf32> to vector<512xf32>
    %broadcast_in_dim3A_45 = vector.shape_cast %reduce_sum3A_44 : vector<512xf32> to vector<512x1xf32>
    %div3A_46 = arith.constant 2.560000e+02 : f32
    %div3A_47 = vector.broadcast %div3A_46 : f32 to vector<512x1xf32>
    %div3A_48 = arith.divf %broadcast_in_dim3A_45, %div3A_47 : vector<512x1xf32>
    %mul3A_49 = arith.mulf %div3A_42, %div3A_42 : vector<512x1xf32>
    %sub3A = arith.subf %div3A_48, %mul3A_49 : vector<512x1xf32>
    %add3A_50 = arith.constant 9.99999974E-6 : f32
    %add3A_51 = vector.broadcast %add3A_50 : f32 to vector<512x1xf32>
    %add3A_52 = arith.addf %sub3A, %add3A_51 : vector<512x1xf32>
    %sqrt3A = math.sqrt %add3A_52 : vector<512x1xf32>
    %div3A_53 = arith.constant 1.000000e+00 : f32
    %div3A_54 = vector.broadcast %div3A_53 : f32 to vector<512x1xf32>
    %div3A_55 = arith.divf %div3A_54, %sqrt3A : vector<512x1xf32>
    %sub3A_56 = vector.broadcast %div3A_42 : vector<512x1xf32> to vector<512x256xf32>
    %sub3A_57 = arith.subf %max3A_38, %sub3A_56 : vector<512x256xf32>
    %mul3A_58 = vector.broadcast %div3A_55 : vector<512x1xf32> to vector<512x256xf32>
    %mul3A_59 = arith.mulf %sub3A_57, %mul3A_58 : vector<512x256xf32>
    %get3A_60 = arith.constant 1 : index
    %get3A_61 = arith.constant 0 : index
    %get3A_62 = vector.load %arg5[%get3A_60, %get3A_61] : memref<24x256xf32, #tpu.memory_space<vmem>>, vector<1x256xf32>
    %mul3A_63 = vector.broadcast %get3A_62 : vector<1x256xf32> to vector<512x256xf32>
    %mul3A_64 = arith.mulf %mul3A_59, %mul3A_63 : vector<512x256xf32>
    %get3A_65 = arith.constant 2 : index
    %get3A_66 = arith.constant 0 : index
    %get3A_67 = vector.load %arg5[%get3A_65, %get3A_66] : memref<24x256xf32, #tpu.memory_space<vmem>>, vector<1x256xf32>
    %add3A_68 = vector.broadcast %get3A_67 : vector<1x256xf32> to vector<512x256xf32>
    %add3A_69 = arith.addf %mul3A_64, %add3A_68 : vector<512x256xf32>
    %convert_element_type3A = arith.truncf %add3A_69 : vector<512x256xf32> to vector<512x256xbf16>
    %broadcast_in_dim3A_70 = arith.constant 0.000000e+00 : bf16
    %broadcast_in_dim3A_71 = vector.broadcast %broadcast_in_dim3A_70 : bf16 to vector<1x256xbf16>
    %slice3A_72 = vector.extract_strided_slice %convert_element_type3A {offsets = [0, 0], sizes = [511, 256], strides = [1, 1]} : vector<512x256xbf16> to vector<511x256xbf16>
    %concatenate3A_73 = tpu.concatenate %broadcast_in_dim3A_71, %slice3A_72 in 0 : vector<1x256xbf16>, vector<511x256xbf16> -> vector<512x256xbf16>
    %slice3A_74 = vector.extract_strided_slice %convert_element_type3A {offsets = [1, 0], sizes = [511, 256], strides = [1, 1]} : vector<512x256xbf16> to vector<511x256xbf16>
    %concatenate3A_75 = tpu.concatenate %slice3A_74, %broadcast_in_dim3A_71 in 0 : vector<511x256xbf16>, vector<1x256xbf16> -> vector<512x256xbf16>
    %get3A_76 = arith.constant 768 : index
    %get3A_77 = arith.constant 0 : index
    %get3A_78 = vector.load %arg4[%get3A_76, %get3A_77] : memref<4608x256xbf16, #tpu.memory_space<vmem>>, vector<256x256xbf16>
    %dot_general3A_79 = arith.constant dense<0.000000e+00> : vector<512x256xf32>
    %dot_general3A_80 = tpu.matmul %concatenate3A_73, %get3A_78, %dot_general3A_79 {dimension_numbers = #tpu.dot_dimension_numbers<[1], [0], [0], [1], [0, 0, 1, 1], [], []>, transpose_lhs_hint = false} : vector<512x256xbf16>, vector<256x256xbf16>, vector<512x256xf32> -> vector<512x256xf32>
    %get3A_81 = arith.constant 1024 : index
    %get3A_82 = arith.constant 0 : index
    %get3A_83 = vector.load %arg4[%get3A_81, %get3A_82] : memref<4608x256xbf16, #tpu.memory_space<vmem>>, vector<256x256xbf16>
    %dot_general3A_84 = arith.constant dense<0.000000e+00> : vector<512x256xf32>
    %dot_general3A_85 = tpu.matmul %convert_element_type3A, %get3A_83, %dot_general3A_84 {dimension_numbers = #tpu.dot_dimension_numbers<[1], [0], [0], [1], [0, 0, 1, 1], [], []>, transpose_lhs_hint = false} : vector<512x256xbf16>, vector<256x256xbf16>, vector<512x256xf32> -> vector<512x256xf32>
    %add3A_86 = arith.addf %dot_general3A_80, %dot_general3A_85 : vector<512x256xf32>
    %get3A_87 = arith.constant 1280 : index
    %get3A_88 = arith.constant 0 : index
    %get3A_89 = vector.load %arg4[%get3A_87, %get3A_88] : memref<4608x256xbf16, #tpu.memory_space<vmem>>, vector<256x256xbf16>
    %dot_general3A_90 = arith.constant dense<0.000000e+00> : vector<512x256xf32>
    %dot_general3A_91 = tpu.matmul %concatenate3A_75, %get3A_89, %dot_general3A_90 {dimension_numbers = #tpu.dot_dimension_numbers<[1], [0], [0], [1], [0, 0, 1, 1], [], []>, transpose_lhs_hint = false} : vector<512x256xbf16>, vector<256x256xbf16>, vector<512x256xf32> -> vector<512x256xf32>
    %add3A_92 = arith.addf %add3A_86, %dot_general3A_91 : vector<512x256xf32>
    %get3A_93 = arith.constant 3 : index
    %get3A_94 = arith.constant 0 : index
    %get3A_95 = vector.load %arg5[%get3A_93, %get3A_94] : memref<24x256xf32, #tpu.memory_space<vmem>>, vector<1x256xf32>
    %add3A_96 = vector.broadcast %get3A_95 : vector<1x256xf32> to vector<512x256xf32>
    %add3A_97 = arith.addf %add3A_92, %add3A_96 : vector<512x256xf32>
    %max3A_98 = arith.constant 0.000000e+00 : f32
    %max3A_99 = vector.broadcast %max3A_98 : f32 to vector<512x256xf32>
    %max3A_100 = arith.maximumf %add3A_97, %max3A_99 : vector<512x256xf32>
    %get3A_101 = arith.constant 4 : index
    %get3A_102 = arith.constant 0 : index
    %get3A_103 = vector.load %arg5[%get3A_101, %get3A_102] : memref<24x256xf32, #tpu.memory_space<vmem>>, vector<1x256xf32>
    %reduce_sum3A_104 = arith.constant dense<0.000000e+00> : vector<512xf32>
    %reduce_sum3A_105 = vector.multi_reduction <add>, %max3A_100, %reduce_sum3A_104 [1] : vector<512x256xf32> to vector<512xf32>
    %broadcast_in_dim3A_106 = vector.shape_cast %reduce_sum3A_105 : vector<512xf32> to vector<512x1xf32>
    %div3A_107 = arith.constant 2.560000e+02 : f32
    %div3A_108 = vector.broadcast %div3A_107 : f32 to vector<512x1xf32>
    %div3A_109 = arith.divf %broadcast_in_dim3A_106, %div3A_108 : vector<512x1xf32>
    %mul3A_110 = arith.mulf %max3A_100, %max3A_100 : vector<512x256xf32>
    %reduce_sum3A_111 = arith.constant dense<0.000000e+00> : vector<512xf32>
    %reduce_sum3A_112 = vector.multi_reduction <add>, %mul3A_110, %reduce_sum3A_111 [1] : vector<512x256xf32> to vector<512xf32>
    %broadcast_in_dim3A_113 = vector.shape_cast %reduce_sum3A_112 : vector<512xf32> to vector<512x1xf32>
    %div3A_114 = arith.constant 2.560000e+02 : f32
    %div3A_115 = vector.broadcast %div3A_114 : f32 to vector<512x1xf32>
    %div3A_116 = arith.divf %broadcast_in_dim3A_113, %div3A_115 : vector<512x1xf32>
    %mul3A_117 = arith.mulf %div3A_109, %div3A_109 : vector<512x1xf32>
    %sub3A_118 = arith.subf %div3A_116, %mul3A_117 : vector<512x1xf32>
    %add3A_119 = arith.constant 9.99999974E-6 : f32
    %add3A_120 = vector.broadcast %add3A_119 : f32 to vector<512x1xf32>
    %add3A_121 = arith.addf %sub3A_118, %add3A_120 : vector<512x1xf32>
    %sqrt3A_122 = math.sqrt %add3A_121 : vector<512x1xf32>
    %div3A_123 = arith.constant 1.000000e+00 : f32
    %div3A_124 = vector.broadcast %div3A_123 : f32 to vector<512x1xf32>
    %div3A_125 = arith.divf %div3A_124, %sqrt3A_122 : vector<512x1xf32>
    %mul3A_126 = vector.broadcast %get3A_103 : vector<1x256xf32> to vector<512x256xf32>
    %mul3A_127 = arith.mulf %max3A_100, %mul3A_126 : vector<512x256xf32>
    %reduce_sum3A_128 = arith.constant dense<0.000000e+00> : vector<512xf32>
    %reduce_sum3A_129 = vector.multi_reduction <add>, %mul3A_127, %reduce_sum3A_128 [1] : vector<512x256xf32> to vector<512xf32>
    %broadcast_in_dim3A_130 = vector.shape_cast %reduce_sum3A_129 : vector<512xf32> to vector<512x1xf32>
    %reduce_sum3A_131 = arith.constant dense<0.000000e+00> : vector<1xf32>
    %reduce_sum3A_132 = vector.multi_reduction <add>, %get3A_103, %reduce_sum3A_131 [1] : vector<1x256xf32> to vector<1xf32>
    %broadcast_in_dim3A_133 = vector.shape_cast %reduce_sum3A_132 : vector<1xf32> to vector<1x1xf32>
    %get3A_134 = arith.constant 5 : index
    %get3A_135 = arith.constant 0 : index
    %get3A_136 = vector.load %arg5[%get3A_134, %get3A_135] : memref<24x256xf32, #tpu.memory_space<vmem>>, vector<1x256xf32>
    %slice3A_137 = vector.extract_strided_slice %get3A_136 {offsets = [0, 0], sizes = [1, 1], strides = [1, 1]} : vector<1x256xf32> to vector<1x1xf32>
    %mul3A_138 = vector.broadcast %broadcast_in_dim3A_133 : vector<1x1xf32> to vector<512x1xf32>
    %mul3A_139 = arith.mulf %div3A_109, %mul3A_138 : vector<512x1xf32>
    %sub3A_140 = arith.subf %broadcast_in_dim3A_130, %mul3A_139 : vector<512x1xf32>
    %mul3A_141 = arith.mulf %div3A_125, %sub3A_140 : vector<512x1xf32>
    %add3A_142 = vector.broadcast %slice3A_137 : vector<1x1xf32> to vector<512x1xf32>
    %add3A_143 = arith.addf %mul3A_141, %add3A_142 : vector<512x1xf32>
    %mul3A_144 = arith.mulf %add3A_143, %get3A_13 : vector<512x1xf32>
    %broadcast_in_dim3A_145 = arith.constant 0.000000e+00 : bf16
    %broadcast_in_dim3A_146 = vector.broadcast %broadcast_in_dim3A_145 : bf16 to vector<1x256xbf16>
    %slice3A_147 = vector.extract_strided_slice %get3A_3 {offsets = [0, 0], sizes = [511, 256], strides = [1, 1]} : vector<512x256xbf16> to vector<511x256xbf16>
    %concatenate3A_148 = tpu.concatenate %broadcast_in_dim3A_146, %slice3A_147 in 0 : vector<1x256xbf16>, vector<511x256xbf16> -> vector<512x256xbf16>
    %slice3A_149 = vector.extract_strided_slice %get3A_3 {offsets = [1, 0], sizes = [511, 256], strides = [1, 1]} : vector<512x256xbf16> to vector<511x256xbf16>
    %concatenate3A_150 = tpu.concatenate %slice3A_149, %broadcast_in_dim3A_146 in 0 : vector<511x256xbf16>, vector<1x256xbf16> -> vector<512x256xbf16>
    %get3A_151 = arith.constant 1536 : index
    %get3A_152 = arith.constant 0 : index
    %get3A_153 = vector.load %arg4[%get3A_151, %get3A_152] : memref<4608x256xbf16, #tpu.memory_space<vmem>>, vector<256x256xbf16>
    %dot_general3A_154 = arith.constant dense<0.000000e+00> : vector<512x256xf32>
    %dot_general3A_155 = tpu.matmul %concatenate3A_148, %get3A_153, %dot_general3A_154 {dimension_numbers = #tpu.dot_dimension_numbers<[1], [0], [0], [1], [0, 0, 1, 1], [], []>, transpose_lhs_hint = false} : vector<512x256xbf16>, vector<256x256xbf16>, vector<512x256xf32> -> vector<512x256xf32>
    %get3A_156 = arith.constant 1792 : index
    %get3A_157 = arith.constant 0 : index
    %get3A_158 = vector.load %arg4[%get3A_156, %get3A_157] : memref<4608x256xbf16, #tpu.memory_space<vmem>>, vector<256x256xbf16>
    %dot_general3A_159 = arith.constant dense<0.000000e+00> : vector<512x256xf32>
    %dot_general3A_160 = tpu.matmul %get3A_3, %get3A_158, %dot_general3A_159 {dimension_numbers = #tpu.dot_dimension_numbers<[1], [0], [0], [1], [0, 0, 1, 1], [], []>, transpose_lhs_hint = false} : vector<512x256xbf16>, vector<256x256xbf16>, vector<512x256xf32> -> vector<512x256xf32>
    %add3A_161 = arith.addf %dot_general3A_155, %dot_general3A_160 : vector<512x256xf32>
    %get3A_162 = arith.constant 2048 : index
    %get3A_163 = arith.constant 0 : index
    %get3A_164 = vector.load %arg4[%get3A_162, %get3A_163] : memref<4608x256xbf16, #tpu.memory_space<vmem>>, vector<256x256xbf16>
    %dot_general3A_165 = arith.constant dense<0.000000e+00> : vector<512x256xf32>
    %dot_general3A_166 = tpu.matmul %concatenate3A_150, %get3A_164, %dot_general3A_165 {dimension_numbers = #tpu.dot_dimension_numbers<[1], [0], [0], [1], [0, 0, 1, 1], [], []>, transpose_lhs_hint = false} : vector<512x256xbf16>, vector<256x256xbf16>, vector<512x256xf32> -> vector<512x256xf32>
    %add3A_167 = arith.addf %add3A_161, %dot_general3A_166 : vector<512x256xf32>
    %get3A_168 = arith.constant 8 : index
    %get3A_169 = arith.constant 0 : index
    %get3A_170 = vector.load %arg5[%get3A_168, %get3A_169] : memref<24x256xf32, #tpu.memory_space<vmem>>, vector<1x256xf32>
    %add3A_171 = vector.broadcast %get3A_170 : vector<1x256xf32> to vector<512x256xf32>
    %add3A_172 = arith.addf %add3A_167, %add3A_171 : vector<512x256xf32>
    %max3A_173 = arith.constant 0.000000e+00 : f32
    %max3A_174 = vector.broadcast %max3A_173 : f32 to vector<512x256xf32>
    %max3A_175 = arith.maximumf %add3A_172, %max3A_174 : vector<512x256xf32>
    %reduce_sum3A_176 = arith.constant dense<0.000000e+00> : vector<512xf32>
    %reduce_sum3A_177 = vector.multi_reduction <add>, %max3A_175, %reduce_sum3A_176 [1] : vector<512x256xf32> to vector<512xf32>
    %broadcast_in_dim3A_178 = vector.shape_cast %reduce_sum3A_177 : vector<512xf32> to vector<512x1xf32>
    %div3A_179 = arith.constant 2.560000e+02 : f32
    %div3A_180 = vector.broadcast %div3A_179 : f32 to vector<512x1xf32>
    %div3A_181 = arith.divf %broadcast_in_dim3A_178, %div3A_180 : vector<512x1xf32>
    %mul3A_182 = arith.mulf %max3A_175, %max3A_175 : vector<512x256xf32>
    %reduce_sum3A_183 = arith.constant dense<0.000000e+00> : vector<512xf32>
    %reduce_sum3A_184 = vector.multi_reduction <add>, %mul3A_182, %reduce_sum3A_183 [1] : vector<512x256xf32> to vector<512xf32>
    %broadcast_in_dim3A_185 = vector.shape_cast %reduce_sum3A_184 : vector<512xf32> to vector<512x1xf32>
    %div3A_186 = arith.constant 2.560000e+02 : f32
    %div3A_187 = vector.broadcast %div3A_186 : f32 to vector<512x1xf32>
    %div3A_188 = arith.divf %broadcast_in_dim3A_185, %div3A_187 : vector<512x1xf32>
    %mul3A_189 = arith.mulf %div3A_181, %div3A_181 : vector<512x1xf32>
    %sub3A_190 = arith.subf %div3A_188, %mul3A_189 : vector<512x1xf32>
    %add3A_191 = arith.constant 9.99999974E-6 : f32
    %add3A_192 = vector.broadcast %add3A_191 : f32 to vector<512x1xf32>
    %add3A_193 = arith.addf %sub3A_190, %add3A_192 : vector<512x1xf32>
    %sqrt3A_194 = math.sqrt %add3A_193 : vector<512x1xf32>
    %div3A_195 = arith.constant 1.000000e+00 : f32
    %div3A_196 = vector.broadcast %div3A_195 : f32 to vector<512x1xf32>
    %div3A_197 = arith.divf %div3A_196, %sqrt3A_194 : vector<512x1xf32>
    %sub3A_198 = vector.broadcast %div3A_181 : vector<512x1xf32> to vector<512x256xf32>
    %sub3A_199 = arith.subf %max3A_175, %sub3A_198 : vector<512x256xf32>
    %mul3A_200 = vector.broadcast %div3A_197 : vector<512x1xf32> to vector<512x256xf32>
    %mul3A_201 = arith.mulf %sub3A_199, %mul3A_200 : vector<512x256xf32>
    %get3A_202 = arith.constant 9 : index
    %get3A_203 = arith.constant 0 : index
    %get3A_204 = vector.load %arg5[%get3A_202, %get3A_203] : memref<24x256xf32, #tpu.memory_space<vmem>>, vector<1x256xf32>
    %mul3A_205 = vector.broadcast %get3A_204 : vector<1x256xf32> to vector<512x256xf32>
    %mul3A_206 = arith.mulf %mul3A_201, %mul3A_205 : vector<512x256xf32>
    %get3A_207 = arith.constant 10 : index
    %get3A_208 = arith.constant 0 : index
    %get3A_209 = vector.load %arg5[%get3A_207, %get3A_208] : memref<24x256xf32, #tpu.memory_space<vmem>>, vector<1x256xf32>
    %add3A_210 = vector.broadcast %get3A_209 : vector<1x256xf32> to vector<512x256xf32>
    %add3A_211 = arith.addf %mul3A_206, %add3A_210 : vector<512x256xf32>
    %convert_element_type3A_212 = arith.truncf %add3A_211 : vector<512x256xf32> to vector<512x256xbf16>
    %broadcast_in_dim3A_213 = arith.constant 0.000000e+00 : bf16
    %broadcast_in_dim3A_214 = vector.broadcast %broadcast_in_dim3A_213 : bf16 to vector<1x256xbf16>
    %slice3A_215 = vector.extract_strided_slice %convert_element_type3A_212 {offsets = [0, 0], sizes = [511, 256], strides = [1, 1]} : vector<512x256xbf16> to vector<511x256xbf16>
    %concatenate3A_216 = tpu.concatenate %broadcast_in_dim3A_214, %slice3A_215 in 0 : vector<1x256xbf16>, vector<511x256xbf16> -> vector<512x256xbf16>
    %slice3A_217 = vector.extract_strided_slice %convert_element_type3A_212 {offsets = [1, 0], sizes = [511, 256], strides = [1, 1]} : vector<512x256xbf16> to vector<511x256xbf16>
    %concatenate3A_218 = tpu.concatenate %slice3A_217, %broadcast_in_dim3A_214 in 0 : vector<511x256xbf16>, vector<1x256xbf16> -> vector<512x256xbf16>
    %get3A_219 = arith.constant 2304 : index
    %get3A_220 = arith.constant 0 : index
    %get3A_221 = vector.load %arg4[%get3A_219, %get3A_220] : memref<4608x256xbf16, #tpu.memory_space<vmem>>, vector<256x256xbf16>
    %dot_general3A_222 = arith.constant dense<0.000000e+00> : vector<512x256xf32>
    %dot_general3A_223 = tpu.matmul %concatenate3A_216, %get3A_221, %dot_general3A_222 {dimension_numbers = #tpu.dot_dimension_numbers<[1], [0], [0], [1], [0, 0, 1, 1], [], []>, transpose_lhs_hint = false} : vector<512x256xbf16>, vector<256x256xbf16>, vector<512x256xf32> -> vector<512x256xf32>
    %get3A_224 = arith.constant 2560 : index
    %get3A_225 = arith.constant 0 : index
    %get3A_226 = vector.load %arg4[%get3A_224, %get3A_225] : memref<4608x256xbf16, #tpu.memory_space<vmem>>, vector<256x256xbf16>
    %dot_general3A_227 = arith.constant dense<0.000000e+00> : vector<512x256xf32>
    %dot_general3A_228 = tpu.matmul %convert_element_type3A_212, %get3A_226, %dot_general3A_227 {dimension_numbers = #tpu.dot_dimension_numbers<[1], [0], [0], [1], [0, 0, 1, 1], [], []>, transpose_lhs_hint = false} : vector<512x256xbf16>, vector<256x256xbf16>, vector<512x256xf32> -> vector<512x256xf32>
    %add3A_229 = arith.addf %dot_general3A_223, %dot_general3A_228 : vector<512x256xf32>
    %get3A_230 = arith.constant 2816 : index
    %get3A_231 = arith.constant 0 : index
    %get3A_232 = vector.load %arg4[%get3A_230, %get3A_231] : memref<4608x256xbf16, #tpu.memory_space<vmem>>, vector<256x256xbf16>
    %dot_general3A_233 = arith.constant dense<0.000000e+00> : vector<512x256xf32>
    %dot_general3A_234 = tpu.matmul %concatenate3A_218, %get3A_232, %dot_general3A_233 {dimension_numbers = #tpu.dot_dimension_numbers<[1], [0], [0], [1], [0, 0, 1, 1], [], []>, transpose_lhs_hint = false} : vector<512x256xbf16>, vector<256x256xbf16>, vector<512x256xf32> -> vector<512x256xf32>
    %add3A_235 = arith.addf %add3A_229, %dot_general3A_234 : vector<512x256xf32>
    %get3A_236 = arith.constant 11 : index
    %get3A_237 = arith.constant 0 : index
    %get3A_238 = vector.load %arg5[%get3A_236, %get3A_237] : memref<24x256xf32, #tpu.memory_space<vmem>>, vector<1x256xf32>
    %add3A_239 = vector.broadcast %get3A_238 : vector<1x256xf32> to vector<512x256xf32>
    %add3A_240 = arith.addf %add3A_235, %add3A_239 : vector<512x256xf32>
    %max3A_241 = arith.constant 0.000000e+00 : f32
    %max3A_242 = vector.broadcast %max3A_241 : f32 to vector<512x256xf32>
    %max3A_243 = arith.maximumf %add3A_240, %max3A_242 : vector<512x256xf32>
    %get3A_244 = arith.constant 12 : index
    %get3A_245 = arith.constant 0 : index
    %get3A_246 = vector.load %arg5[%get3A_244, %get3A_245] : memref<24x256xf32, #tpu.memory_space<vmem>>, vector<1x256xf32>
    %reduce_sum3A_247 = arith.constant dense<0.000000e+00> : vector<512xf32>
    %reduce_sum3A_248 = vector.multi_reduction <add>, %max3A_243, %reduce_sum3A_247 [1] : vector<512x256xf32> to vector<512xf32>
    %broadcast_in_dim3A_249 = vector.shape_cast %reduce_sum3A_248 : vector<512xf32> to vector<512x1xf32>
    %div3A_250 = arith.constant 2.560000e+02 : f32
    %div3A_251 = vector.broadcast %div3A_250 : f32 to vector<512x1xf32>
    %div3A_252 = arith.divf %broadcast_in_dim3A_249, %div3A_251 : vector<512x1xf32>
    %mul3A_253 = arith.mulf %max3A_243, %max3A_243 : vector<512x256xf32>
    %reduce_sum3A_254 = arith.constant dense<0.000000e+00> : vector<512xf32>
    %reduce_sum3A_255 = vector.multi_reduction <add>, %mul3A_253, %reduce_sum3A_254 [1] : vector<512x256xf32> to vector<512xf32>
    %broadcast_in_dim3A_256 = vector.shape_cast %reduce_sum3A_255 : vector<512xf32> to vector<512x1xf32>
    %div3A_257 = arith.constant 2.560000e+02 : f32
    %div3A_258 = vector.broadcast %div3A_257 : f32 to vector<512x1xf32>
    %div3A_259 = arith.divf %broadcast_in_dim3A_256, %div3A_258 : vector<512x1xf32>
    %mul3A_260 = arith.mulf %div3A_252, %div3A_252 : vector<512x1xf32>
    %sub3A_261 = arith.subf %div3A_259, %mul3A_260 : vector<512x1xf32>
    %add3A_262 = arith.constant 9.99999974E-6 : f32
    %add3A_263 = vector.broadcast %add3A_262 : f32 to vector<512x1xf32>
    %add3A_264 = arith.addf %sub3A_261, %add3A_263 : vector<512x1xf32>
    %sqrt3A_265 = math.sqrt %add3A_264 : vector<512x1xf32>
    %div3A_266 = arith.constant 1.000000e+00 : f32
    %div3A_267 = vector.broadcast %div3A_266 : f32 to vector<512x1xf32>
    %div3A_268 = arith.divf %div3A_267, %sqrt3A_265 : vector<512x1xf32>
    %mul3A_269 = vector.broadcast %get3A_246 : vector<1x256xf32> to vector<512x256xf32>
    %mul3A_270 = arith.mulf %max3A_243, %mul3A_269 : vector<512x256xf32>
    %reduce_sum3A_271 = arith.constant dense<0.000000e+00> : vector<512xf32>
    %reduce_sum3A_272 = vector.multi_reduction <add>, %mul3A_270, %reduce_sum3A_271 [1] : vector<512x256xf32> to vector<512xf32>
    %broadcast_in_dim3A_273 = vector.shape_cast %reduce_sum3A_272 : vector<512xf32> to vector<512x1xf32>
    %reduce_sum3A_274 = arith.constant dense<0.000000e+00> : vector<1xf32>
    %reduce_sum3A_275 = vector.multi_reduction <add>, %get3A_246, %reduce_sum3A_274 [1] : vector<1x256xf32> to vector<1xf32>
    %broadcast_in_dim3A_276 = vector.shape_cast %reduce_sum3A_275 : vector<1xf32> to vector<1x1xf32>
    %get3A_277 = arith.constant 13 : index
    %get3A_278 = arith.constant 0 : index
    %get3A_279 = vector.load %arg5[%get3A_277, %get3A_278] : memref<24x256xf32, #tpu.memory_space<vmem>>, vector<1x256xf32>
    %slice3A_280 = vector.extract_strided_slice %get3A_279 {offsets = [0, 0], sizes = [1, 1], strides = [1, 1]} : vector<1x256xf32> to vector<1x1xf32>
    %mul3A_281 = vector.broadcast %broadcast_in_dim3A_276 : vector<1x1xf32> to vector<512x1xf32>
    %mul3A_282 = arith.mulf %div3A_252, %mul3A_281 : vector<512x1xf32>
    %sub3A_283 = arith.subf %broadcast_in_dim3A_273, %mul3A_282 : vector<512x1xf32>
    %mul3A_284 = arith.mulf %div3A_268, %sub3A_283 : vector<512x1xf32>
    %add3A_285 = vector.broadcast %slice3A_280 : vector<1x1xf32> to vector<512x1xf32>
    %add3A_286 = arith.addf %mul3A_284, %add3A_285 : vector<512x1xf32>
    %mul3A_287 = arith.mulf %add3A_286, %get3A_13 : vector<512x1xf32>
    %broadcast_in_dim3A_288 = arith.constant 0.000000e+00 : bf16
    %broadcast_in_dim3A_289 = vector.broadcast %broadcast_in_dim3A_288 : bf16 to vector<1x256xbf16>
    %slice3A_290 = vector.extract_strided_slice %get3A_8 {offsets = [0, 0], sizes = [511, 256], strides = [1, 1]} : vector<512x256xbf16> to vector<511x256xbf16>
    %concatenate3A_291 = tpu.concatenate %broadcast_in_dim3A_289, %slice3A_290 in 0 : vector<1x256xbf16>, vector<511x256xbf16> -> vector<512x256xbf16>
    %slice3A_292 = vector.extract_strided_slice %get3A_8 {offsets = [1, 0], sizes = [511, 256], strides = [1, 1]} : vector<512x256xbf16> to vector<511x256xbf16>
    %concatenate3A_293 = tpu.concatenate %slice3A_292, %broadcast_in_dim3A_289 in 0 : vector<511x256xbf16>, vector<1x256xbf16> -> vector<512x256xbf16>
    %get3A_294 = arith.constant 3072 : index
    %get3A_295 = arith.constant 0 : index
    %get3A_296 = vector.load %arg4[%get3A_294, %get3A_295] : memref<4608x256xbf16, #tpu.memory_space<vmem>>, vector<256x256xbf16>
    %dot_general3A_297 = arith.constant dense<0.000000e+00> : vector<512x256xf32>
    %dot_general3A_298 = tpu.matmul %concatenate3A_291, %get3A_296, %dot_general3A_297 {dimension_numbers = #tpu.dot_dimension_numbers<[1], [0], [0], [1], [0, 0, 1, 1], [], []>, transpose_lhs_hint = false} : vector<512x256xbf16>, vector<256x256xbf16>, vector<512x256xf32> -> vector<512x256xf32>
    %get3A_299 = arith.constant 3328 : index
    %get3A_300 = arith.constant 0 : index
    %get3A_301 = vector.load %arg4[%get3A_299, %get3A_300] : memref<4608x256xbf16, #tpu.memory_space<vmem>>, vector<256x256xbf16>
    %dot_general3A_302 = arith.constant dense<0.000000e+00> : vector<512x256xf32>
    %dot_general3A_303 = tpu.matmul %get3A_8, %get3A_301, %dot_general3A_302 {dimension_numbers = #tpu.dot_dimension_numbers<[1], [0], [0], [1], [0, 0, 1, 1], [], []>, transpose_lhs_hint = false} : vector<512x256xbf16>, vector<256x256xbf16>, vector<512x256xf32> -> vector<512x256xf32>
    %add3A_304 = arith.addf %dot_general3A_298, %dot_general3A_303 : vector<512x256xf32>
    %get3A_305 = arith.constant 3584 : index
    %get3A_306 = arith.constant 0 : index
    %get3A_307 = vector.load %arg4[%get3A_305, %get3A_306] : memref<4608x256xbf16, #tpu.memory_space<vmem>>, vector<256x256xbf16>
    %dot_general3A_308 = arith.constant dense<0.000000e+00> : vector<512x256xf32>
    %dot_general3A_309 = tpu.matmul %concatenate3A_293, %get3A_307, %dot_general3A_308 {dimension_numbers = #tpu.dot_dimension_numbers<[1], [0], [0], [1], [0, 0, 1, 1], [], []>, transpose_lhs_hint = false} : vector<512x256xbf16>, vector<256x256xbf16>, vector<512x256xf32> -> vector<512x256xf32>
    %add3A_310 = arith.addf %add3A_304, %dot_general3A_309 : vector<512x256xf32>
    %get3A_311 = arith.constant 16 : index
    %get3A_312 = arith.constant 0 : index
    %get3A_313 = vector.load %arg5[%get3A_311, %get3A_312] : memref<24x256xf32, #tpu.memory_space<vmem>>, vector<1x256xf32>
    %add3A_314 = vector.broadcast %get3A_313 : vector<1x256xf32> to vector<512x256xf32>
    %add3A_315 = arith.addf %add3A_310, %add3A_314 : vector<512x256xf32>
    %max3A_316 = arith.constant 0.000000e+00 : f32
    %max3A_317 = vector.broadcast %max3A_316 : f32 to vector<512x256xf32>
    %max3A_318 = arith.maximumf %add3A_315, %max3A_317 : vector<512x256xf32>
    %reduce_sum3A_319 = arith.constant dense<0.000000e+00> : vector<512xf32>
    %reduce_sum3A_320 = vector.multi_reduction <add>, %max3A_318, %reduce_sum3A_319 [1] : vector<512x256xf32> to vector<512xf32>
    %broadcast_in_dim3A_321 = vector.shape_cast %reduce_sum3A_320 : vector<512xf32> to vector<512x1xf32>
    %div3A_322 = arith.constant 2.560000e+02 : f32
    %div3A_323 = vector.broadcast %div3A_322 : f32 to vector<512x1xf32>
    %div3A_324 = arith.divf %broadcast_in_dim3A_321, %div3A_323 : vector<512x1xf32>
    %mul3A_325 = arith.mulf %max3A_318, %max3A_318 : vector<512x256xf32>
    %reduce_sum3A_326 = arith.constant dense<0.000000e+00> : vector<512xf32>
    %reduce_sum3A_327 = vector.multi_reduction <add>, %mul3A_325, %reduce_sum3A_326 [1] : vector<512x256xf32> to vector<512xf32>
    %broadcast_in_dim3A_328 = vector.shape_cast %reduce_sum3A_327 : vector<512xf32> to vector<512x1xf32>
    %div3A_329 = arith.constant 2.560000e+02 : f32
    %div3A_330 = vector.broadcast %div3A_329 : f32 to vector<512x1xf32>
    %div3A_331 = arith.divf %broadcast_in_dim3A_328, %div3A_330 : vector<512x1xf32>
    %mul3A_332 = arith.mulf %div3A_324, %div3A_324 : vector<512x1xf32>
    %sub3A_333 = arith.subf %div3A_331, %mul3A_332 : vector<512x1xf32>
    %add3A_334 = arith.constant 9.99999974E-6 : f32
    %add3A_335 = vector.broadcast %add3A_334 : f32 to vector<512x1xf32>
    %add3A_336 = arith.addf %sub3A_333, %add3A_335 : vector<512x1xf32>
    %sqrt3A_337 = math.sqrt %add3A_336 : vector<512x1xf32>
    %div3A_338 = arith.constant 1.000000e+00 : f32
    %div3A_339 = vector.broadcast %div3A_338 : f32 to vector<512x1xf32>
    %div3A_340 = arith.divf %div3A_339, %sqrt3A_337 : vector<512x1xf32>
    %sub3A_341 = vector.broadcast %div3A_324 : vector<512x1xf32> to vector<512x256xf32>
    %sub3A_342 = arith.subf %max3A_318, %sub3A_341 : vector<512x256xf32>
    %mul3A_343 = vector.broadcast %div3A_340 : vector<512x1xf32> to vector<512x256xf32>
    %mul3A_344 = arith.mulf %sub3A_342, %mul3A_343 : vector<512x256xf32>
    %get3A_345 = arith.constant 17 : index
    %get3A_346 = arith.constant 0 : index
    %get3A_347 = vector.load %arg5[%get3A_345, %get3A_346] : memref<24x256xf32, #tpu.memory_space<vmem>>, vector<1x256xf32>
    %mul3A_348 = vector.broadcast %get3A_347 : vector<1x256xf32> to vector<512x256xf32>
    %mul3A_349 = arith.mulf %mul3A_344, %mul3A_348 : vector<512x256xf32>
    %get3A_350 = arith.constant 18 : index
    %get3A_351 = arith.constant 0 : index
    %get3A_352 = vector.load %arg5[%get3A_350, %get3A_351] : memref<24x256xf32, #tpu.memory_space<vmem>>, vector<1x256xf32>
    %add3A_353 = vector.broadcast %get3A_352 : vector<1x256xf32> to vector<512x256xf32>
    %add3A_354 = arith.addf %mul3A_349, %add3A_353 : vector<512x256xf32>
    %convert_element_type3A_355 = arith.truncf %add3A_354 : vector<512x256xf32> to vector<512x256xbf16>
    %broadcast_in_dim3A_356 = arith.constant 0.000000e+00 : bf16
    %broadcast_in_dim3A_357 = vector.broadcast %broadcast_in_dim3A_356 : bf16 to vector<1x256xbf16>
    %slice3A_358 = vector.extract_strided_slice %convert_element_type3A_355 {offsets = [0, 0], sizes = [511, 256], strides = [1, 1]} : vector<512x256xbf16> to vector<511x256xbf16>
    %concatenate3A_359 = tpu.concatenate %broadcast_in_dim3A_357, %slice3A_358 in 0 : vector<1x256xbf16>, vector<511x256xbf16> -> vector<512x256xbf16>
    %slice3A_360 = vector.extract_strided_slice %convert_element_type3A_355 {offsets = [1, 0], sizes = [511, 256], strides = [1, 1]} : vector<512x256xbf16> to vector<511x256xbf16>
    %concatenate3A_361 = tpu.concatenate %slice3A_360, %broadcast_in_dim3A_357 in 0 : vector<511x256xbf16>, vector<1x256xbf16> -> vector<512x256xbf16>
    %get3A_362 = arith.constant 3840 : index
    %get3A_363 = arith.constant 0 : index
    %get3A_364 = vector.load %arg4[%get3A_362, %get3A_363] : memref<4608x256xbf16, #tpu.memory_space<vmem>>, vector<256x256xbf16>
    %dot_general3A_365 = arith.constant dense<0.000000e+00> : vector<512x256xf32>
    %dot_general3A_366 = tpu.matmul %concatenate3A_359, %get3A_364, %dot_general3A_365 {dimension_numbers = #tpu.dot_dimension_numbers<[1], [0], [0], [1], [0, 0, 1, 1], [], []>, transpose_lhs_hint = false} : vector<512x256xbf16>, vector<256x256xbf16>, vector<512x256xf32> -> vector<512x256xf32>
    %get3A_367 = arith.constant 4096 : index
    %get3A_368 = arith.constant 0 : index
    %get3A_369 = vector.load %arg4[%get3A_367, %get3A_368] : memref<4608x256xbf16, #tpu.memory_space<vmem>>, vector<256x256xbf16>
    %dot_general3A_370 = arith.constant dense<0.000000e+00> : vector<512x256xf32>
    %dot_general3A_371 = tpu.matmul %convert_element_type3A_355, %get3A_369, %dot_general3A_370 {dimension_numbers = #tpu.dot_dimension_numbers<[1], [0], [0], [1], [0, 0, 1, 1], [], []>, transpose_lhs_hint = false} : vector<512x256xbf16>, vector<256x256xbf16>, vector<512x256xf32> -> vector<512x256xf32>
    %add3A_372 = arith.addf %dot_general3A_366, %dot_general3A_371 : vector<512x256xf32>
    %get3A_373 = arith.constant 4352 : index
    %get3A_374 = arith.constant 0 : index
    %get3A_375 = vector.load %arg4[%get3A_373, %get3A_374] : memref<4608x256xbf16, #tpu.memory_space<vmem>>, vector<256x256xbf16>
    %dot_general3A_376 = arith.constant dense<0.000000e+00> : vector<512x256xf32>
    %dot_general3A_377 = tpu.matmul %concatenate3A_361, %get3A_375, %dot_general3A_376 {dimension_numbers = #tpu.dot_dimension_numbers<[1], [0], [0], [1], [0, 0, 1, 1], [], []>, transpose_lhs_hint = false} : vector<512x256xbf16>, vector<256x256xbf16>, vector<512x256xf32> -> vector<512x256xf32>
    %add3A_378 = arith.addf %add3A_372, %dot_general3A_377 : vector<512x256xf32>
    %get3A_379 = arith.constant 19 : index
    %get3A_380 = arith.constant 0 : index
    %get3A_381 = vector.load %arg5[%get3A_379, %get3A_380] : memref<24x256xf32, #tpu.memory_space<vmem>>, vector<1x256xf32>
    %add3A_382 = vector.broadcast %get3A_381 : vector<1x256xf32> to vector<512x256xf32>
    %add3A_383 = arith.addf %add3A_378, %add3A_382 : vector<512x256xf32>
    %max3A_384 = arith.constant 0.000000e+00 : f32
    %max3A_385 = vector.broadcast %max3A_384 : f32 to vector<512x256xf32>
    %max3A_386 = arith.maximumf %add3A_383, %max3A_385 : vector<512x256xf32>
    %get3A_387 = arith.constant 20 : index
    %get3A_388 = arith.constant 0 : index
    %get3A_389 = vector.load %arg5[%get3A_387, %get3A_388] : memref<24x256xf32, #tpu.memory_space<vmem>>, vector<1x256xf32>
    %reduce_sum3A_390 = arith.constant dense<0.000000e+00> : vector<512xf32>
    %reduce_sum3A_391 = vector.multi_reduction <add>, %max3A_386, %reduce_sum3A_390 [1] : vector<512x256xf32> to vector<512xf32>
    %broadcast_in_dim3A_392 = vector.shape_cast %reduce_sum3A_391 : vector<512xf32> to vector<512x1xf32>
    %div3A_393 = arith.constant 2.560000e+02 : f32
    %div3A_394 = vector.broadcast %div3A_393 : f32 to vector<512x1xf32>
    %div3A_395 = arith.divf %broadcast_in_dim3A_392, %div3A_394 : vector<512x1xf32>
    %mul3A_396 = arith.mulf %max3A_386, %max3A_386 : vector<512x256xf32>
    %reduce_sum3A_397 = arith.constant dense<0.000000e+00> : vector<512xf32>
    %reduce_sum3A_398 = vector.multi_reduction <add>, %mul3A_396, %reduce_sum3A_397 [1] : vector<512x256xf32> to vector<512xf32>
    %broadcast_in_dim3A_399 = vector.shape_cast %reduce_sum3A_398 : vector<512xf32> to vector<512x1xf32>
    %div3A_400 = arith.constant 2.560000e+02 : f32
    %div3A_401 = vector.broadcast %div3A_400 : f32 to vector<512x1xf32>
    %div3A_402 = arith.divf %broadcast_in_dim3A_399, %div3A_401 : vector<512x1xf32>
    %mul3A_403 = arith.mulf %div3A_395, %div3A_395 : vector<512x1xf32>
    %sub3A_404 = arith.subf %div3A_402, %mul3A_403 : vector<512x1xf32>
    %add3A_405 = arith.constant 9.99999974E-6 : f32
    %add3A_406 = vector.broadcast %add3A_405 : f32 to vector<512x1xf32>
    %add3A_407 = arith.addf %sub3A_404, %add3A_406 : vector<512x1xf32>
    %sqrt3A_408 = math.sqrt %add3A_407 : vector<512x1xf32>
    %div3A_409 = arith.constant 1.000000e+00 : f32
    %div3A_410 = vector.broadcast %div3A_409 : f32 to vector<512x1xf32>
    %div3A_411 = arith.divf %div3A_410, %sqrt3A_408 : vector<512x1xf32>
    %mul3A_412 = vector.broadcast %get3A_389 : vector<1x256xf32> to vector<512x256xf32>
    %mul3A_413 = arith.mulf %max3A_386, %mul3A_412 : vector<512x256xf32>
    %reduce_sum3A_414 = arith.constant dense<0.000000e+00> : vector<512xf32>
    %reduce_sum3A_415 = vector.multi_reduction <add>, %mul3A_413, %reduce_sum3A_414 [1] : vector<512x256xf32> to vector<512xf32>
    %broadcast_in_dim3A_416 = vector.shape_cast %reduce_sum3A_415 : vector<512xf32> to vector<512x1xf32>
    %reduce_sum3A_417 = arith.constant dense<0.000000e+00> : vector<1xf32>
    %reduce_sum3A_418 = vector.multi_reduction <add>, %get3A_389, %reduce_sum3A_417 [1] : vector<1x256xf32> to vector<1xf32>
    %broadcast_in_dim3A_419 = vector.shape_cast %reduce_sum3A_418 : vector<1xf32> to vector<1x1xf32>
    %get3A_420 = arith.constant 21 : index
    %get3A_421 = arith.constant 0 : index
    %get3A_422 = vector.load %arg5[%get3A_420, %get3A_421] : memref<24x256xf32, #tpu.memory_space<vmem>>, vector<1x256xf32>
    %slice3A_423 = vector.extract_strided_slice %get3A_422 {offsets = [0, 0], sizes = [1, 1], strides = [1, 1]} : vector<1x256xf32> to vector<1x1xf32>
    %mul3A_424 = vector.broadcast %broadcast_in_dim3A_419 : vector<1x1xf32> to vector<512x1xf32>
    %mul3A_425 = arith.mulf %div3A_395, %mul3A_424 : vector<512x1xf32>
    %sub3A_426 = arith.subf %broadcast_in_dim3A_416, %mul3A_425 : vector<512x1xf32>
    %mul3A_427 = arith.mulf %div3A_411, %sub3A_426 : vector<512x1xf32>
    %add3A_428 = vector.broadcast %slice3A_423 : vector<1x1xf32> to vector<512x1xf32>
    %add3A_429 = arith.addf %mul3A_427, %add3A_428 : vector<512x1xf32>
    %mul3A_430 = arith.mulf %add3A_429, %get3A_13 : vector<512x1xf32>
    %broadcast_in_dim3A_431 = arith.constant 0.000000e+00 : f32
    %broadcast_in_dim3A_432 = vector.broadcast %broadcast_in_dim3A_431 : f32 to vector<512x5xf32>
    %concatenate3A_433 = tpu.concatenate %mul3A_287, %mul3A_430, %mul3A_144, %broadcast_in_dim3A_432 in 1 : vector<512x1xf32>, vector<512x1xf32>, vector<512x1xf32>, vector<512x5xf32> -> vector<512x8xf32>
    %swap3A = arith.constant 0 : index
    %swap3A_434 = arith.constant 0 : index
    %swap3A_435 = arith.constant 0 : index
    %swap3A_436 = vector.load %arg6[%swap3A, %swap3A_434, %swap3A_435] : memref<1x512x8xf32, #tpu.memory_space<vmem>>, vector<1x512x8xf32>
    %swap3A_437 = vector.shape_cast %swap3A_436 : vector<1x512x8xf32> to vector<512x8xf32>
    %swap3A_438 = vector.shape_cast %concatenate3A_433 : vector<512x8xf32> to vector<1x512x8xf32>
    tpu.vector_store %arg6[%swap3A, %swap3A_434, %swap3A_435], %swap3A_438 {strides = array<i32>} : memref<1x512x8xf32, #tpu.memory_space<vmem>>, vector<1x512x8xf32>,
    return
  }
  func.func @transform_0(%arg0: i32) -> (i32, i32, i32) {
    %c0_i32 = arith.constant 0 : i32
    %c0_i32_0 = arith.constant 0 : i32
    %c0_i32_1 = arith.constant 0 : i32
    return %arg0, %c0_i32, %c0_i32_0 : i32, i32, i32
  }
  func.func @transform_1(%arg0: i32) -> (i32, i32, i32) {
    %c0_i32 = arith.constant 0 : i32
    %c0_i32_0 = arith.constant 0 : i32
    %c0_i32_1 = arith.constant 0 : i32
    return %arg0, %c0_i32, %c0_i32_0 : i32, i32, i32
  }
  func.func @transform_2(%arg0: i32) -> (i32, i32, i32) {
    %c0_i32 = arith.constant 0 : i32
    %c0_i32_0 = arith.constant 0 : i32
    %c0_i32_1 = arith.constant 0 : i32
    return %arg0, %c0_i32, %c0_i32_0 : i32, i32, i32
  }
  func.func @transform_3(%arg0: i32) -> (i32, i32) {
    %c0_i32 = arith.constant 0 : i32
    %c0_i32_0 = arith.constant 0 : i32
    %c0_i32_1 = arith.constant 0 : i32
    return %c0_i32, %c0_i32_0 : i32, i32
  }
  func.func @transform_4(%arg0: i32) -> (i32, i32) {
    %c0_i32 = arith.constant 0 : i32
    %c0_i32_0 = arith.constant 0 : i32
    %c0_i32_1 = arith.constant 0 : i32
    return %c0_i32, %c0_i32_0 : i32, i32
  }
  func.func @transform_5(%arg0: i32) -> (i32, i32, i32) {
    %c0_i32 = arith.constant 0 : i32
    %c0_i32_0 = arith.constant 0 : i32
    %c0_i32_1 = arith.constant 0 : i32
    return %arg0, %c0_i32, %c0_i32_0 : i32, i32, i32
  }
}

</mosaic_0001>

<sc_bundles>
// kernel: kernel.5.cloned.1.call-start
scs
__scs_entry_jumppad:
0x0: {  	(pc) =	sbr.rel $0x88, $3  }
0x1: {  	(tag) =	ssettag $0x0;
	lr =	simm.s32 $0x1  }
0x2: {  	[smem:$0x3F79] =	sst lr;
	_ =	strace $0xD0000000  }
0x3: {  	_ = 	snop  }
0x4: {  	_ = 	snop  }
0x5: {  	_ = 	snop  }
0x6: {  	_ = 	snop  }
0x7: {  	_ = 	snop  }
__scs_overlays_trampoline_lowered:
0x8: {  	[smem:$0x3F88] =	sst s0  }
0x9: {  	[smem:$0x3F89] =	sst s1  }
0xa: {  	[smem:$0x3F8A] =	sst s2  }
0xb: {  	[smem:$0x3F8B] =	sst s3  }
0xc: {  	[smem:$0x3F8C] =	sst s4  }
0xd: {  	[smem:$0x3F8D] =	sst s5  }
0xe: {  	[smem:$0x3F8E] =	sst s6  }
0xf: {  	[smem:$0x3F8F] =	sst s7  }
0x10: {  	[smem:$0x3F90] =	sst s8  }
0x11: {  	[smem:$0x3F91] =	sst s9;
	s0 =	simm.s32 @!p0 $0x0  }
0x12: {  	s1 =	sld [smem:$0x3F77];
	s0 =	simm.s32 @p0 $0x1  }
0x13: {  	[smem:$0x3F92] =	sst s0;
	s0 =	simm.s32 @!p1 $0x0  }
0x14: {  	s2 =	sld [smem:$0x3F76];
	s0 =	simm.s32 @p1 $0x1  }
0x15: {  	[smem:$0x3F93] =	sst s0;
	s0 =	simm.s32 @!p2 $0x0  }
0x16: {  	s3 =	sld [smem:$0x3FDB];
	s0 =	simm.s32 @p2 $0x1  }
0x17: {  	s4 =	simm.s32 $0x1BF5;
	[smem:$0x3F95] =	sst s0  }
0x18: {  	s0 =	sld [smem:$0x3F78];
	_ =	swait.ge [sflag:s4], $0x0  }
0x19: {  	s7 =	sld [smem:$0x3F79]  }
0x1a: {  	s8 =	sadd.s32 $0xFFFFE003, lr  }
0x1b: {  	s9 =	sadd.s32 $0xFFFFFEF7, lr;
	s5 =	simm.s32 $0xFFFFFFFF;
	p2 =	slt.u32 s8, $0xFFFFF086  }
0x1c: {  	p1 =	slt.u32 s9, $0xF7A;
	s5 =	simm.s32 @!p2 $0x0  }
0x1d: {  	s5 =	simm.s32 @p1 $0x1;
	p0 =	seq.s32 s7, s2  }
0x1e: {  	s7 =	smul.u32 @!p0 $0xF7A, s2;
	p2 =	seq.s32 @!p0 s5, $0x0  }
0x1f: {  	s9 =	smul.u32 $0xF7A, s1;
	s8 =	simm.s32 @!p0 $0x1BF5;
	p2 =	por !p2, p0  }
0x20: {  	[sflag:s8] =	ssyncset.s32 @!p0 $0xFFFFF086;
	s6 =	sadd.s32 @!p0 s3, s7;
	s7 =	simm.s32 @!p0 $0x108  }
0x21: {  	s3 =	sadd.s32 s3, s9;
	s6 =	sadd.s32 @!p0 $0x88, s6;
	s7 =	simm.s32 @p2 $0x1082  }
0x22: {  	[simem:s7], [sflag:s8] =	dma.local @!p0 [hbm:s6], $0xF7A  }
0x23: {  	s9 =	sor.u32 $0xD0000000, s2;
	s6 =	simm.s32 $0x108;
	_ =	swait.ge @!p0 [sflag:s8], $0x0  }
0x24: {  	s3 =	sadd.s32 $0x88, s3;
	s6 =	simm.s32 @!p1 $0x1082;
	[sflag:s4] =	ssyncset.s32 $0xFFFFF086  }
0x25: {  	[simem:s6], [sflag:s4] =	dma.local [hbm:s3], $0xF7A  }
0x26: {  	[smem:$0x3F79] =	sst s1;
	(tag) =	ssettag s2;
	_ =	strace s9  }
0x27: {  	s1 =	sld [smem:$0x3F89]  }
0x28: {  	s2 =	sld [smem:$0x3F8A]  }
0x29: {  	s4 =	sld [smem:$0x3F8C]  }
0x2a: {  	p0 =	seq.s32 s5, $0x0;
	s5 =	sld [smem:$0x3F8D]  }
0x2b: {  	s6 =	sld [smem:$0x3F8E]  }
0x2c: {  	s7 =	sld [smem:$0x3F8F]  }
0x2d: {  	s3 =	simm.s32 $0x108;
	s8 =	sld [smem:$0x3F90]  }
0x2e: {  	s3 =	simm.s32 @!p0 $0x1082;
	s9 =	sld [smem:$0x3F91]  }
0x2f: {  	lr =	sadd.s32 s0, s3;
	s0 =	sld [smem:$0x3F88]  }
0x30: {  	s3 =	sld [smem:$0x3F8B]  }
0x31: {  	[smem:$0x3F94] =	sst s10  }
0x32: {  	s10 =	sld [smem:$0x3F92];
	_ =	sdelay $0x3  }
0x33: {  	p0 =	seq.s32 s10, $0x1;
	s10 =	sld [smem:$0x3F94];
	_ =	sdelay $0x3  }
0x34: {  	[smem:$0x3F94] =	sst s10  }
0x35: {  	s10 =	sld [smem:$0x3F93];
	_ =	sdelay $0x3  }
0x36: {  	p1 =	seq.s32 s10, $0x1;
	s10 =	sld [smem:$0x3F94];
	_ =	sdelay $0x3  }
0x37: {  	[smem:$0x3F94] =	sst s10  }
0x38: {  	s10 =	sld [smem:$0x3F95]  }
0x39: {  	_ = 	snop;
	(pc) =	sbr.ind lr, $3  }
0x3a: {  	_ = 	snop  }
0x3b: {  	_ = 	snop  }
0x3c: {  	p2 =	seq.s32 s10, $0x1;
	s10 =	sld [smem:$0x3F94]  }
0x3d: {  	_ =	shalt  }
0x3e: {  	_ =	shalt  }
0x3f: {  	_ =	shalt  }
0x40: {  	_ =	shalt  }
0x41: {  	_ =	shalt  }
0x42: {  	_ =	shalt  }
0x43: {  	_ =	shalt  }
0x44: {  	_ =	shalt  }
0x45: {  	_ =	shalt  }
0x46: {  	_ =	shalt  }
0x47: {  	_ =	shalt  }
0x48: {  	_ =	shalt  }
0x49: {  	_ =	shalt  }
0x4a: {  	_ =	shalt  }
0x4b: {  	_ =	shalt  }
0x4c: {  	_ =	shalt  }
0x4d: {  	_ =	shalt  }
0x4e: {  	_ =	shalt  }
0x4f: {  	_ =	shalt  }
0x50: {  	_ =	shalt  }
0x51: {  	_ =	shalt  }
0x52: {  	_ =	shalt  }
0x53: {  	_ =	shalt  }
0x54: {  	_ =	shalt  }
0x55: {  	_ =	shalt  }
0x56: {  	_ =	shalt  }
0x57: {  	_ =	shalt  }
0x58: {  	_ =	shalt  }
0x59: {  	_ =	shalt  }
0x5a: {  	_ =	shalt  }
0x5b: {  	_ =	shalt  }
0x5c: {  	_ =	shalt  }
0x5d: {  	_ =	shalt  }
0x5e: {  	_ =	shalt  }
0x5f: {  	_ =	shalt  }
0x60: {  	_ =	shalt  }
0x61: {  	_ =	shalt  }
0x62: {  	_ =	shalt  }
0x63: {  	_ =	shalt  }
0x64: {  	_ =	shalt  }
0x65: {  	_ =	shalt  }
0x66: {  	_ =	shalt  }
0x67: {  	_ =	shalt  }
0x68: {  	_ =	shalt  }
0x69: {  	_ =	shalt  }
0x6a: {  	_ =	shalt  }
0x6b: {  	_ =	shalt  }
0x6c: {  	_ =	shalt  }
0x6d: {  	_ =	shalt  }
0x6e: {  	_ =	shalt  }
0x6f: {  	_ =	shalt  }
0x70: {  	_ =	shalt  }
0x71: {  	_ =	shalt  }
0x72: {  	_ =	shalt  }
0x73: {  	_ =	shalt  }
0x74: {  	_ =	shalt  }
0x75: {  	_ =	shalt  }
0x76: {  	_ =	shalt  }
0x77: {  	_ =	shalt  }
0x78: {  	_ =	shalt  }
0x79: {  	_ =	shalt  }
0x7a: {  	_ =	shalt  }
0x7b: {  	_ =	shalt  }
0x7c: {  	_ =	shalt  }
0x7d: {  	_ =	shalt  }
0x7e: {  	_ =	shalt  }
0x7f: {  	_ =	shalt  }
0x80: {  	_ =	shalt  }
0x81: {  	_ =	shalt  }
0x82: {  	_ =	shalt  }
0x83: {  	_ =	shalt  }
0x84: {  	_ =	shalt  }
0x85: {  	_ =	shalt  }
0x86: {  	_ =	shalt  }
0x87: {  	_ =	shalt  }
.Lfunc_end0:
.L_simem_size_0:
called_computation_lowered:
.L_overlay_start_0:
0x88: {  	s2 =	sld [smem:$0x3FD9]  }
0x89: {  	s3 =	sld [smem:$0x3FFE];
	_ =	sdelay $0x1  }
0x8a: {  	s1 =	srdreg.scid  }
0x8b: {  	s0 =	sand.u32 $0x1, s1  }
0x8c: {  	s14 =	sshll.u32 s0, $0xA;
	s2 =	sadd.s32 s3, s2  }
0x8d: {  	s2 =	sadd.s32 s2, s14  }
0x8e: {  	[smem:$0x3FA0] =	sst s2  }
0x8f: {  	_ = 	snop  }
0x90: {  	s2 =	sld [smem:$0x3FD0];
	_ =	sdelay $0x2  }
0x91: {  	s15 =	simm.s32 $0xA;
	s4 =	simm.s32 $0x10  }
0x92: {  	[smem:s4], [sflag:s15] =	dma.local [hbm:s2], $0x1  }
0x93: {  	_ =	swait.eq [sflag:s15], $0x1  }
0x94: {  	[sflag:s15] =	ssyncset.done $0x0  }
0x95: {  	[sflag:s15] =	ssyncadd.s32 $0xFFFFFFFF  }
0x96: {  	s16 =	sld [smem:$0x10];
	(tm) =	ssettm $0x1  }
0x97: {  	s17 =	sld [smem:$0x3FFB];
	_ =	sdelay $0x3  }
0x98: {  	_ =	strace s17  }
0x99: {  	s3 =	sld [smem:$0x3FFC];
	_ =	sdelay $0x3  }
0x9a: {  	_ =	strace s3  }
0x9b: {  	s3 =	sld [smem:$0x3FFD];
	_ =	sdelay $0x3  }
0x9c: {  	_ =	strace s3  }
0x9d: {  	_ =	strace $0x8FFFFFFF  }
0x9e: {  	s18 =	sld [smem:$0x3FDB];
	_ =	sdelay $0x1  }
0x9f: {  	s19 =	simm.s32 $_scs_section_size  }
0xa0: {  	s5 =	simm.s32 $_size__tile_overlayer_lowered;
	s6 =	simm.s32 $_tile_overlayer_lowered  }
0xa1: {  	s22 =	simm.s32 $0x1BFF;
	s21 =	sshll.u32 s6, $0x1;
	s3 =	sadd.s32 s19, s18  }
0xa2: {  	s7 =	simm.s32 $0x0;
	s20 =	sshll.u32 s5, $0x1;
	s5 =	sadd.s32 s21, s3  }
0xa3: {  	[timem:s7], [sflag:s22] =	dma.local [hbm:s5], s20  }
0xa4: {  	_ =	swait.ge [sflag:s22], s20  }
0xa5: {  	s4 =	ssub.s32 $0x0, s20;
	[sflag:s22] =	ssyncset.done $0x0  }
0xa6: {  	[sflag:s22] =	ssyncadd.s32 s4;
	_ =	sdelay $0x1  }
0xa7: {  	s23 =	simm.s32 $0x1B8B  }
0xa8: {  	_ =	swait.ge [sflag:s23], $0x1  }
0xa9: {  	[sflag:s23] =	ssyncset.done $0x0  }
0xaa: {  	s25 =	simm.s32 $0x1B8E;
	s24 =	sld [smem:$0x3FFE];
	[sflag:s23] =	ssyncadd.s32 $0xFFFFFFFF  }
0xab: {  	s26 =	simm.s32 $execute0_lowered;
	[smem:$0x3FD2] =	sst s25  }
0xac: {  	s5 =	sshll.u32 s26, $0x1;
	_ =	strace $0x80000046;
	[dreg:$0x1] =	wrdreg $0xFFFFFFFF  }
0xad: {  	s28 =	simm.s32 $_size_execute0_lowered;
	s3 =	sadd.s32 s3, s5;
	[dreg:$0x0] =	wrdreg $0x0  }
0xae: {  	s5 =	sshll.u32 s28, $0x1;
	[dreg:$0x2] =	wrdreg s3  }
0xaf: {  	[dreg:$0x3] =	wrdreg s5  }
0xb0: {  	[dreg:$0x4] =	wrdreg $0xC0  }
0xb1: {  	_ =	task [dreg:s7], $0x5FFFF  }
0xb2: {  	[dreg:$0x1] =	wrdreg $0xFFFFFFFF  }
0xb3: {  	[dreg:$0x0] =	wrdreg $0x60  }
0xb4: {  	[dreg:$0x2] =	wrdreg s24  }
0xb5: {  	[dreg:$0x3] =	wrdreg s16  }
0xb6: {  	[dreg:$0x4] =	wrdreg $0x9  }
0xb7: {  	_ =	task.clear_ibuf [dreg:s7], $0x5FFFF;
	_ =	strace $0x90000046  }
0xb8: {  	s29 =	simm.s32 $0x9;
	_ =	strace $0x80000048  }
0xb9: {  	_ =	swait.ge [sflag:s29], $0x1  }
0xba: {  	[sflag:s29] =	ssyncadd.s32 $0xFFFFFFFF  }
0xbb: {  	_ =	strace $0x90000048  }
0xbc: {  	_ =	sfence  }
0xbd: {  	s30 =	sld [smem:$0x0];
	_ =	sdelay $0x2  }
0xbe: {  	s31 =	sshll.u32 s1, $0xD;
	s1 =	sshrl.u32 s1, $0x2  }
0xbf: {  	s3 =	sand.u32 $0x4000, s31;
	s1 =	sadd.s32 s1, s30  }
0xc0: {  	s0 =	sor.u32 s3, s0;
	s1 =	sshll.u32 s1, $0x11  }
0xc1: {  	s0 =	sor.u32 s1, s0  }
0xc2: {  	s0 =	sadd.s32 $0x8F2B, s0  }
0xc3: {  	[sflag:s0] =	ssyncadd.remote.s32 $0x1  }
0xc4: {  	_ =	sfence.sel $0xFFFF  }
0xc5: {  	[dreg:$0x0] =	wrdreg $0xFFFFFFFF;
	(pc) =	sbr.abs _section_cstart, $3  }
0xc6: {  	[dreg:$0x1] =	wrdreg $0xFFFFFFFF  }
0xc7: {  	_ =	task.clear_ibuf [dreg:s7], $0x2FFFF;
	_ =	strace $0x9FFFFFFF  }
0xc8: {  	(tm) =	ssettm $0x7FFFFFFF  }
0xc9: {  	_ =	shalt  }
tec
execute0_lowered:
.L_overlay_start_1:
0x0: {  	(tag) =	ssettag $0x1  }
0x1: {  	s0 =	srdreg.scid;
	s1 =	rddreg [dreg:$0x0]  }
0x2: {  	s2 =	stileid.u32;
	s3 =	rddreg [dreg:$0x1]  }
0x3: {  	s28 =	simm.s32 $0x400;
	s13 =	simm.s32 $0x1;
	s14 =	simm.s32 $0x4  }
0x4: {  	s15 =	simm.s32 $0x2;
	s16 =	simm.s32 $0x5;
	s17 =	simm.s32 $0x3  }
0x5: {  	s18 =	simm.s32 $0x6;
	s29 =	simm.s32 $0x4400;
	s30 =	simm.s32 $0x4C00  }
0x6: {  	s31 =	simm.s32 $0x5400;
	s7 =	simm.s32 $0x10C00;
	s10 =	simm.s32 $0x11400  }
0x7: {  	s11 =	simm.s32 $0x11C00;
	s0 =	sand.u32 $0x1, s0;
	s2 =	sshll.u32 s2, $0x1  }
0x8: {  	s12 =	simm.s32 $0x12400;
	s8 =	simm.s32 $0x14400;
	s4 =	sor.u32 s0, s2  }
0x9: {  	s2 =	simm.s32 $0x0;
	s5 =	sshll.u32 s4, $0x7;
	s4 =	sshll.u32 s4, $0xF  }
0xa: {  	[smem:$0x7FF] =	sst s2;
	s5 =	sadd.s32 s5, s1;
	s6 =	sadd.s32 s3, s4  }
0xb: {  	_ =	strace $0x80000047;
	s5 =	sadd.s32 $0x44E00, s5;
	[dreg:$0xb] =	wrdreg s6  }
0xc: {  	s9 =	simm.s32 $0x14C00;
	s3 =	sadd.s32 $0x1000, s6;
	[dreg:$0x3] =	wrdreg s5  }
0xd: {  	s0 =	ssub.s32 $0x2, s0;
	s20 =	sadd.s32 $0x2000, s6;
	[dreg:$0x4] =	wrdreg s3  }
0xe: {  	s24 =	sshrl.u32 s0, $0x1;
	s21 =	sadd.s32 $0x3000, s6;
	[dreg:$0x5] =	wrdreg s20  }
0xf: {  	s4 =	sadd.s32 $0x2E00, s1;
	s22 =	sadd.s32 $0x4000, s6;
	[dreg:$0x6] =	wrdreg s21  }
0x10: {  	s0 =	ssub.s32 s0, s24;
	s23 =	sadd.s32 $0x5000, s6;
	[dreg:$0x7] =	wrdreg s22  }
0x11: {  	s24 =	simm.s32 $0x16C00;
	s25 =	sadd.s32 $0x6000, s6;
	[dreg:$0x8] =	wrdreg s23  }
0x12: {  	s26 =	sadd.s32 $0x7000, s6;
	s6 =	simm.s32 $0x13C00;
	[dreg:$0x9] =	wrdreg s25  }
0x13: {  	v2 =	vlaneseq.u32;
	[dreg:$0xa] =	wrdreg s26;
	s5 =	smax.u32 s0, $0x1;
	s23 =	simm.s32 $0x8400  }
0x14: {  	vm0 =	vmmov $0xffff;
	v1 =	vshrl.u32 v2, $0x3;
	s3 =	simm.s32 $0x13400;
	s20 =	simm.s32 $0x15400;
	s21 =	simm.s32 $0x15C00  }
0x15: {  	v0 =	vand.u32 $0x7, v2;
	v2 =	vor.u32 $0x8, v2;
	v1 =	vmul.u32 $0x8, v1;
	s22 =	simm.s32 $0x16400;
	s25 =	simm.s32 $0x17400;
	s26 =	simm.s32 $0x17C00  }
.LBB2_1:
0x16: {  	s19 =	rddreg [dreg:$0x3];
	s0 =	simm.s32 $0x7  }
0x17: {  	[tilespmem:s2], [sflag:$0x7] =	stream.linear.gather [hbm4b:s19+s2], $0x400, $0x38;
	[tilespmem:$0x18400] =	vst v63  }
0x18: {  	_ =	swait.ge [sflag:s0], $0x400  }
0x19: {  	[sflag:s0] =	ssyncset.done $0x0  }
0x1a: {  	[sflag:s0] =	ssyncadd.s32 $0xFFFFFC00  }
0x1b: {  	v3 =	vld [tilespmem:$0x0];
	_ =	sdelay $0x4  }
0x1c: {  	v4 =	vshll.u32 v3, $0x1  }
0x1d: {  	v3 =	vand.u32 $0x7, v3;
	v4 =	vand.u32 $0xFFFFFFF0, v4  }
0x1e: {  	v3 =	vor.u32 v3, v4  }
0x1f: {  	v4 =	vperm.xlane v3, v0;
	_ =	sdelay $0x1  }
0x20: {  	v3 =	vperm.xlane v3, v2;
	v4 =	vadd.s32 v1, v4;
	_ =	sdelay $0x1  }
0x21: {  	v3 =	vadd.s32 v1, v3;
	_ =	sdelay $0x2  }
0x22: {  	[tilespmem:s28], [sflag:$0x1] =	stream.indirect_vreg.gather [hbm4b:s4+s2], $0x80, v4, vm0, $0xb8;
	[tilespmem:$0x18400] =	vst v63  }
0x23: {  	s0 =	simm.s32 $0xC00  }
0x24: {  	[tilespmem:s0], [sflag:$0x1] =	stream.indirect_vreg.gather [hbm4b:s4+s2], $0x80, v3, vm0, $0xb8;
	[tilespmem:$0x18400] =	vst v63  }
0x25: {  	v3 =	vld [tilespmem:$0x10];
	_ =	sdelay $0x4  }
0x26: {  	v57 =	vshll.u32 v3, $0x1  }
0x27: {  	v3 =	vand.u32 $0x7, v3;
	v4 =	vand.u32 $0xFFFFFFF0, v57  }
0x28: {  	v3 =	vor.u32 v3, v4  }
0x29: {  	v4 =	vperm.xlane v3, v0;
	_ =	sdelay $0x1  }
0x2a: {  	v3 =	vperm.xlane v3, v2;
	v4 =	vadd.s32 v1, v4;
	_ =	sdelay $0x1  }
0x2b: {  	v3 =	vadd.s32 v1, v3;
	_ =	sdelay $0x1  }
0x2c: {  	s1 =	simm.s32 $0x1400  }
0x2d: {  	[tilespmem:s1], [sflag:$0x1] =	stream.indirect_vreg.gather [hbm4b:s4+s2], $0x80, v4, vm0, $0xb8;
	[tilespmem:$0x18400] =	vst v63  }
0x2e: {  	s19 =	simm.s32 $0x1C00  }
0x2f: {  	[tilespmem:s19], [sflag:$0x1] =	stream.indirect_vreg.gather [hbm4b:s4+s2], $0x80, v3, vm0, $0xb8;
	[tilespmem:$0x18400] =	vst v63  }
0x30: {  	v3 =	vld [tilespmem:$0x20];
	_ =	sdelay $0x4  }
0x31: {  	v58 =	vshll.u32 v3, $0x1  }
0x32: {  	v3 =	vand.u32 $0x7, v3;
	v4 =	vand.u32 $0xFFFFFFF0, v58  }
0x33: {  	v3 =	vor.u32 v3, v4  }
0x34: {  	v4 =	vperm.xlane v3, v0;
	_ =	sdelay $0x1  }
0x35: {  	v3 =	vperm.xlane v3, v2;
	v4 =	vadd.s32 v1, v4;
	_ =	sdelay $0x1  }
0x36: {  	v3 =	vadd.s32 v1, v3;
	_ =	sdelay $0x1  }
0x37: {  	s1 =	simm.s32 $0x2400  }
0x38: {  	[tilespmem:s1], [sflag:$0x1] =	stream.indirect_vreg.gather [hbm4b:s4+s2], $0x80, v4, vm0, $0xb8;
	[tilespmem:$0x18400] =	vst v63  }
0x39: {  	s19 =	simm.s32 $0x2C00  }
0x3a: {  	[tilespmem:s19], [sflag:$0x1] =	stream.indirect_vreg.gather [hbm4b:s4+s2], $0x80, v3, vm0, $0xb8;
	[tilespmem:$0x18400] =	vst v63  }
0x3b: {  	v3 =	vld [tilespmem:$0x30];
	_ =	sdelay $0x4  }
0x3c: {  	v59 =	vshll.u32 v3, $0x1  }
0x3d: {  	v3 =	vand.u32 $0x7, v3;
	v4 =	vand.u32 $0xFFFFFFF0, v59  }
0x3e: {  	v3 =	vor.u32 v3, v4  }
0x3f: {  	v4 =	vperm.xlane v3, v0;
	_ =	sdelay $0x1  }
0x40: {  	v3 =	vperm.xlane v3, v2;
	v4 =	vadd.s32 v1, v4;
	_ =	sdelay $0x1  }
0x41: {  	v3 =	vadd.s32 v1, v3;
	_ =	sdelay $0x1  }
0x42: {  	s1 =	simm.s32 $0x3400  }
0x43: {  	[tilespmem:s1], [sflag:$0x1] =	stream.indirect_vreg.gather [hbm4b:s4+s2], $0x80, v4, vm0, $0xb8;
	[tilespmem:$0x18400] =	vst v63  }
0x44: {  	s19 =	simm.s32 $0x3C00  }
0x45: {  	[tilespmem:s19], [sflag:$0x1] =	stream.indirect_vreg.gather [hbm4b:s4+s2], $0x80, v3, vm0, $0xb8;
	[tilespmem:$0x18400] =	vst v63  }
0x46: {  	v3 =	vld [tilespmem:$0x40];
	_ =	sdelay $0x4  }
0x47: {  	v60 =	vshll.u32 v3, $0x1  }
0x48: {  	v3 =	vand.u32 $0x7, v3;
	v4 =	vand.u32 $0xFFFFFFF0, v60  }
0x49: {  	v3 =	vor.u32 v3, v4  }
0x4a: {  	v4 =	vperm.xlane v3, v0;
	_ =	sdelay $0x1  }
0x4b: {  	v3 =	vperm.xlane v3, v2;
	v4 =	vadd.s32 v1, v4;
	_ =	sdelay $0x1  }
0x4c: {  	v3 =	vadd.s32 v1, v3;
	_ =	sdelay $0x2  }
0x4d: {  	[tilespmem:s29], [sflag:$0x1] =	stream.indirect_vreg.gather [hbm4b:s4+s2], $0x80, v4, vm0, $0xb8;
	[tilespmem:$0x18400] =	vst v63  }
0x4e: {  	_ = 	snop  }
0x4f: {  	[tilespmem:s30], [sflag:$0x1] =	stream.indirect_vreg.gather [hbm4b:s4+s2], $0x80, v3, vm0, $0xb8;
	[tilespmem:$0x18400] =	vst v63  }
0x50: {  	v3 =	vld [tilespmem:$0x50];
	_ =	sdelay $0x4  }
0x51: {  	v61 =	vshll.u32 v3, $0x1  }
0x52: {  	v3 =	vand.u32 $0x7, v3;
	v4 =	vand.u32 $0xFFFFFFF0, v61  }
0x53: {  	v3 =	vor.u32 v3, v4  }
0x54: {  	v4 =	vperm.xlane v3, v0;
	_ =	sdelay $0x1  }
0x55: {  	v3 =	vperm.xlane v3, v2;
	v4 =	vadd.s32 v1, v4;
	_ =	sdelay $0x1  }
0x56: {  	v3 =	vadd.s32 v1, v3;
	_ =	sdelay $0x2  }
0x57: {  	[tilespmem:s31], [sflag:$0x1] =	stream.indirect_vreg.gather [hbm4b:s4+s2], $0x80, v4, vm0, $0xb8;
	[tilespmem:$0x18400] =	vst v63  }
0x58: {  	s1 =	simm.s32 $0x5C00  }
0x59: {  	[tilespmem:s1], [sflag:$0x1] =	stream.indirect_vreg.gather [hbm4b:s4+s2], $0x80, v3, vm0, $0xb8;
	[tilespmem:$0x18400] =	vst v63  }
0x5a: {  	v3 =	vld [tilespmem:$0x60];
	_ =	sdelay $0x4  }
0x5b: {  	v62 =	vshll.u32 v3, $0x1  }
0x5c: {  	v3 =	vand.u32 $0x7, v3;
	v4 =	vand.u32 $0xFFFFFFF0, v62  }
0x5d: {  	v3 =	vor.u32 v3, v4  }
0x5e: {  	v4 =	vperm.xlane v3, v0;
	_ =	sdelay $0x1  }
0x5f: {  	v3 =	vperm.xlane v3, v2;
	v4 =	vadd.s32 v1, v4;
	_ =	sdelay $0x1  }
0x60: {  	v3 =	vadd.s32 v1, v3;
	_ =	sdelay $0x1  }
0x61: {  	s19 =	simm.s32 $0x6400  }
0x62: {  	[tilespmem:s19], [sflag:$0x1] =	stream.indirect_vreg.gather [hbm4b:s4+s2], $0x80, v4, vm0, $0xb8;
	[tilespmem:$0x18400] =	vst v63  }
0x63: {  	s1 =	simm.s32 $0x6C00  }
0x64: {  	[tilespmem:s1], [sflag:$0x1] =	stream.indirect_vreg.gather [hbm4b:s4+s2], $0x80, v3, vm0, $0xb8;
	[tilespmem:$0x18400] =	vst v63  }
0x65: {  	v3 =	vld [tilespmem:$0x70];
	_ =	sdelay $0x4  }
0x66: {  	v63 =	vshll.u32 v3, $0x1  }
0x67: {  	v3 =	vand.u32 $0x7, v3;
	v4 =	vand.u32 $0xFFFFFFF0, v63  }
0x68: {  	v3 =	vor.u32 v3, v4  }
0x69: {  	v4 =	vperm.xlane v3, v0;
	_ =	sdelay $0x1  }
0x6a: {  	v3 =	vperm.xlane v3, v2;
	v4 =	vadd.s32 v1, v4;
	_ =	sdelay $0x1  }
0x6b: {  	v3 =	vadd.s32 v1, v3;
	_ =	sdelay $0x1  }
0x6c: {  	s19 =	simm.s32 $0x7400  }
0x6d: {  	[tilespmem:s19], [sflag:$0x1] =	stream.indirect_vreg.gather [hbm4b:s4+s2], $0x80, v4, vm0, $0xb8;
	[tilespmem:$0x18400] =	vst v63  }
0x6e: {  	s1 =	simm.s32 $0x7C00  }
0x6f: {  	[tilespmem:s1], [sflag:$0x1] =	stream.indirect_vreg.gather [hbm4b:s4+s2], $0x80, v3, vm0, $0xb8;
	[tilespmem:$0x18400] =	vst v63  }
0x70: {  	v3 =	vld [tilespmem:$0x80];
	_ =	sdelay $0x4  }
0x71: {  	v8 =	vshll.u32 v3, $0x1  }
0x72: {  	v3 =	vand.u32 $0x7, v3;
	v4 =	vand.u32 $0xFFFFFFF0, v8  }
0x73: {  	v3 =	vor.u32 v3, v4  }
0x74: {  	v4 =	vperm.xlane v3, v0;
	_ =	sdelay $0x1  }
0x75: {  	v3 =	vperm.xlane v3, v2;
	v4 =	vadd.s32 v1, v4;
	_ =	sdelay $0x1  }
0x76: {  	v3 =	vadd.s32 v1, v3;
	_ =	sdelay $0x2  }
0x77: {  	[tilespmem:s23], [sflag:$0x2] =	stream.indirect_vreg.gather [hbm4b:s4+s2], $0x80, v4, vm0, $0xb8;
	[tilespmem:$0x18400] =	vst v63  }
0x78: {  	s19 =	simm.s32 $0x8C00  }
0x79: {  	[tilespmem:s19], [sflag:$0x2] =	stream.indirect_vreg.gather [hbm4b:s4+s2], $0x80, v3, vm0, $0xb8;
	[tilespmem:$0x18400] =	vst v63  }
0x7a: {  	v3 =	vld [tilespmem:$0x90];
	_ =	sdelay $0x4  }
0x7b: {  	v9 =	vshll.u32 v3, $0x1  }
0x7c: {  	v3 =	vand.u32 $0x7, v3;
	v4 =	vand.u32 $0xFFFFFFF0, v9  }
0x7d: {  	v3 =	vor.u32 v3, v4  }
0x7e: {  	v4 =	vperm.xlane v3, v0;
	_ =	sdelay $0x1  }
0x7f: {  	v3 =	vperm.xlane v3, v2;
	v4 =	vadd.s32 v1, v4;
	_ =	sdelay $0x1  }
0x80: {  	v3 =	vadd.s32 v1, v3;
	_ =	sdelay $0x1  }
0x81: {  	s1 =	simm.s32 $0x9400  }
0x82: {  	[tilespmem:s1], [sflag:$0x2] =	stream.indirect_vreg.gather [hbm4b:s4+s2], $0x80, v4, vm0, $0xb8;
	[tilespmem:$0x18400] =	vst v63  }
0x83: {  	s19 =	simm.s32 $0x9C00  }
0x84: {  	[tilespmem:s19], [sflag:$0x2] =	stream.indirect_vreg.gather [hbm4b:s4+s2], $0x80, v3, vm0, $0xb8;
	[tilespmem:$0x18400] =	vst v63  }
0x85: {  	v3 =	vld [tilespmem:$0xA0];
	_ =	sdelay $0x4  }
0x86: {  	v10 =	vshll.u32 v3, $0x1  }
0x87: {  	v3 =	vand.u32 $0x7, v3;
	v4 =	vand.u32 $0xFFFFFFF0, v10  }
0x88: {  	v3 =	vor.u32 v3, v4  }
0x89: {  	v4 =	vperm.xlane v3, v0;
	_ =	sdelay $0x1  }
0x8a: {  	v3 =	vperm.xlane v3, v2;
	v4 =	vadd.s32 v1, v4;
	_ =	sdelay $0x1  }
0x8b: {  	v3 =	vadd.s32 v1, v3;
	_ =	sdelay $0x1  }
0x8c: {  	s1 =	simm.s32 $0xA400  }
0x8d: {  	[tilespmem:s1], [sflag:$0x2] =	stream.indirect_vreg.gather [hbm4b:s4+s2], $0x80, v4, vm0, $0xb8;
	[tilespmem:$0x18400] =	vst v63  }
0x8e: {  	s19 =	simm.s32 $0xAC00  }
0x8f: {  	[tilespmem:s19], [sflag:$0x2] =	stream.indirect_vreg.gather [hbm4b:s4+s2], $0x80, v3, vm0, $0xb8;
	[tilespmem:$0x18400] =	vst v63  }
0x90: {  	v3 =	vld [tilespmem:$0xB0];
	_ =	sdelay $0x4  }
0x91: {  	v11 =	vshll.u32 v3, $0x1  }
0x92: {  	v3 =	vand.u32 $0x7, v3;
	v4 =	vand.u32 $0xFFFFFFF0, v11  }
0x93: {  	v3 =	vor.u32 v3, v4  }
0x94: {  	v4 =	vperm.xlane v3, v0;
	_ =	sdelay $0x1  }
0x95: {  	v3 =	vperm.xlane v3, v2;
	v4 =	vadd.s32 v1, v4;
	_ =	sdelay $0x1  }
0x96: {  	v3 =	vadd.s32 v1, v3;
	_ =	sdelay $0x1  }
0x97: {  	s1 =	simm.s32 $0xB400  }
0x98: {  	[tilespmem:s1], [sflag:$0x2] =	stream.indirect_vreg.gather [hbm4b:s4+s2], $0x80, v4, vm0, $0xb8;
	[tilespmem:$0x18400] =	vst v63  }
0x99: {  	s19 =	simm.s32 $0xBC00  }
0x9a: {  	[tilespmem:s19], [sflag:$0x2] =	stream.indirect_vreg.gather [hbm4b:s4+s2], $0x80, v3, vm0, $0xb8;
	[tilespmem:$0x18400] =	vst v63  }
0x9b: {  	v3 =	vld [tilespmem:$0xC0];
	_ =	sdelay $0x4  }
0x9c: {  	v12 =	vshll.u32 v3, $0x1  }
0x9d: {  	v3 =	vand.u32 $0x7, v3;
	v4 =	vand.u32 $0xFFFFFFF0, v12  }
0x9e: {  	v3 =	vor.u32 v3, v4  }
0x9f: {  	v4 =	vperm.xlane v3, v0;
	_ =	sdelay $0x1  }
0xa0: {  	v3 =	vperm.xlane v3, v2;
	v4 =	vadd.s32 v1, v4;
	_ =	sdelay $0x1  }
0xa1: {  	v3 =	vadd.s32 v1, v3;
	_ =	sdelay $0x1  }
0xa2: {  	s1 =	simm.s32 $0xC400  }
0xa3: {  	[tilespmem:s1], [sflag:$0x2] =	stream.indirect_vreg.gather [hbm4b:s4+s2], $0x80, v4, vm0, $0xb8;
	[tilespmem:$0x18400] =	vst v63  }
0xa4: {  	s19 =	simm.s32 $0xCC00  }
0xa5: {  	[tilespmem:s19], [sflag:$0x2] =	stream.indirect_vreg.gather [hbm4b:s4+s2], $0x80, v3, vm0, $0xb8;
	[tilespmem:$0x18400] =	vst v63  }
0xa6: {  	v3 =	vld [tilespmem:$0xD0];
	_ =	sdelay $0x4  }
0xa7: {  	v13 =	vshll.u32 v3, $0x1  }
0xa8: {  	v3 =	vand.u32 $0x7, v3;
	v4 =	vand.u32 $0xFFFFFFF0, v13  }
0xa9: {  	v3 =	vor.u32 v3, v4  }
0xaa: {  	v4 =	vperm.xlane v3, v0;
	_ =	sdelay $0x1  }
0xab: {  	v3 =	vperm.xlane v3, v2;
	v4 =	vadd.s32 v1, v4;
	_ =	sdelay $0x1  }
0xac: {  	v3 =	vadd.s32 v1, v3;
	_ =	sdelay $0x1  }
0xad: {  	s1 =	simm.s32 $0xD400  }
0xae: {  	[tilespmem:s1], [sflag:$0x2] =	stream.indirect_vreg.gather [hbm4b:s4+s2], $0x80, v4, vm0, $0xb8;
	[tilespmem:$0x18400] =	vst v63  }
0xaf: {  	s19 =	simm.s32 $0xDC00  }
0xb0: {  	[tilespmem:s19], [sflag:$0x2] =	stream.indirect_vreg.gather [hbm4b:s4+s2], $0x80, v3, vm0, $0xb8;
	[tilespmem:$0x18400] =	vst v63  }
0xb1: {  	v3 =	vld [tilespmem:$0xE0];
	_ =	sdelay $0x4  }
0xb2: {  	v14 =	vshll.u32 v3, $0x1  }
0xb3: {  	v3 =	vand.u32 $0x7, v3;
	v4 =	vand.u32 $0xFFFFFFF0, v14  }
0xb4: {  	v3 =	vor.u32 v3, v4  }
0xb5: {  	v4 =	vperm.xlane v3, v0;
	_ =	sdelay $0x1  }
0xb6: {  	v3 =	vperm.xlane v3, v2;
	v4 =	vadd.s32 v1, v4;
	_ =	sdelay $0x1  }
0xb7: {  	v3 =	vadd.s32 v1, v3;
	_ =	sdelay $0x1  }
0xb8: {  	s1 =	simm.s32 $0xE400  }
0xb9: {  	[tilespmem:s1], [sflag:$0x2] =	stream.indirect_vreg.gather [hbm4b:s4+s2], $0x80, v4, vm0, $0xb8;
	[tilespmem:$0x18400] =	vst v63  }
0xba: {  	s19 =	simm.s32 $0xEC00  }
0xbb: {  	[tilespmem:s19], [sflag:$0x2] =	stream.indirect_vreg.gather [hbm4b:s4+s2], $0x80, v3, vm0, $0xb8;
	[tilespmem:$0x18400] =	vst v63  }
0xbc: {  	v3 =	vld [tilespmem:$0xF0];
	_ =	sdelay $0x4  }
0xbd: {  	v15 =	vshll.u32 v3, $0x1  }
0xbe: {  	v3 =	vand.u32 $0x7, v3;
	v4 =	vand.u32 $0xFFFFFFF0, v15  }
0xbf: {  	v3 =	vor.u32 v3, v4  }
0xc0: {  	v4 =	vperm.xlane v3, v0;
	_ =	sdelay $0x1  }
0xc1: {  	v3 =	vperm.xlane v3, v2;
	v4 =	vadd.s32 v1, v4;
	_ =	sdelay $0x1  }
0xc2: {  	v3 =	vadd.s32 v1, v3;
	_ =	sdelay $0x1  }
0xc3: {  	s1 =	simm.s32 $0xF400  }
0xc4: {  	[tilespmem:s1], [sflag:$0x2] =	stream.indirect_vreg.gather [hbm4b:s4+s2], $0x80, v4, vm0, $0xb8;
	[tilespmem:$0x18400] =	vst v63  }
0xc5: {  	s19 =	simm.s32 $0xFC00  }
0xc6: {  	[tilespmem:s19], [sflag:$0x2] =	stream.indirect_vreg.gather [hbm4b:s4+s2], $0x80, v3, vm0, $0xb8;
	[tilespmem:$0x18400] =	vst v63  }
0xc7: {  	v3 =	vld [tilespmem:$0x100];
	_ =	sdelay $0x4  }
0xc8: {  	v16 =	vshll.u32 v3, $0x1  }
0xc9: {  	v3 =	vand.u32 $0x7, v3;
	v4 =	vand.u32 $0xFFFFFFF0, v16  }
0xca: {  	v3 =	vor.u32 v3, v4  }
0xcb: {  	v4 =	vperm.xlane v3, v0;
	_ =	sdelay $0x1  }
0xcc: {  	v3 =	vperm.xlane v3, v2;
	v4 =	vadd.s32 v1, v4;
	_ =	sdelay $0x1  }
0xcd: {  	v3 =	vadd.s32 v1, v3;
	_ =	sdelay $0x1  }
0xce: {  	s0 =	simm.s32 $0x10400  }
0xcf: {  	[tilespmem:s0], [sflag:$0x3] =	stream.indirect_vreg.gather [hbm4b:s4+s2], $0x80, v4, vm0, $0xb8;
	[tilespmem:$0x18400] =	vst v63  }
0xd0: {  	_ = 	snop  }
0xd1: {  	[tilespmem:s7], [sflag:$0x3] =	stream.indirect_vreg.gather [hbm4b:s4+s2], $0x80, v3, vm0, $0xb8;
	[tilespmem:$0x18400] =	vst v63  }
0xd2: {  	v3 =	vld [tilespmem:$0x110];
	_ =	sdelay $0x4  }
0xd3: {  	v17 =	vshll.u32 v3, $0x1  }
0xd4: {  	v3 =	vand.u32 $0x7, v3;
	v4 =	vand.u32 $0xFFFFFFF0, v17  }
0xd5: {  	v3 =	vor.u32 v3, v4  }
0xd6: {  	v4 =	vperm.xlane v3, v0;
	_ =	sdelay $0x1  }
0xd7: {  	v3 =	vperm.xlane v3, v2;
	v4 =	vadd.s32 v1, v4;
	_ =	sdelay $0x1  }
0xd8: {  	v3 =	vadd.s32 v1, v3;
	_ =	sdelay $0x2  }
0xd9: {  	[tilespmem:s10], [sflag:$0x3] =	stream.indirect_vreg.gather [hbm4b:s4+s2], $0x80, v4, vm0, $0xb8;
	[tilespmem:$0x18400] =	vst v63  }
0xda: {  	_ = 	snop  }
0xdb: {  	[tilespmem:s11], [sflag:$0x3] =	stream.indirect_vreg.gather [hbm4b:s4+s2], $0x80, v3, vm0, $0xb8;
	[tilespmem:$0x18400] =	vst v63  }
0xdc: {  	v3 =	vld [tilespmem:$0x120];
	_ =	sdelay $0x4  }
0xdd: {  	v18 =	vshll.u32 v3, $0x1  }
0xde: {  	v3 =	vand.u32 $0x7, v3;
	v4 =	vand.u32 $0xFFFFFFF0, v18  }
0xdf: {  	v3 =	vor.u32 v3, v4  }
0xe0: {  	v4 =	vperm.xlane v3, v0;
	_ =	sdelay $0x1  }
0xe1: {  	v3 =	vperm.xlane v3, v2;
	v4 =	vadd.s32 v1, v4;
	_ =	sdelay $0x1  }
0xe2: {  	v3 =	vadd.s32 v1, v3;
	_ =	sdelay $0x2  }
0xe3: {  	[tilespmem:s12], [sflag:$0x3] =	stream.indirect_vreg.gather [hbm4b:s4+s2], $0x80, v4, vm0, $0xb8;
	[tilespmem:$0x18400] =	vst v63  }
0xe4: {  	s1 =	simm.s32 $0x12C00  }
0xe5: {  	[tilespmem:s1], [sflag:$0x3] =	stream.indirect_vreg.gather [hbm4b:s4+s2], $0x80, v3, vm0, $0xb8;
	[tilespmem:$0x18400] =	vst v63  }
0xe6: {  	v3 =	vld [tilespmem:$0x130];
	_ =	sdelay $0x4  }
0xe7: {  	v19 =	vshll.u32 v3, $0x1  }
0xe8: {  	v3 =	vand.u32 $0x7, v3;
	v4 =	vand.u32 $0xFFFFFFF0, v19  }
0xe9: {  	v3 =	vor.u32 v3, v4  }
0xea: {  	v4 =	vperm.xlane v3, v0;
	_ =	sdelay $0x1  }
0xeb: {  	v3 =	vperm.xlane v3, v2;
	v4 =	vadd.s32 v1, v4;
	_ =	sdelay $0x1  }
0xec: {  	v3 =	vadd.s32 v1, v3;
	_ =	sdelay $0x2  }
0xed: {  	[tilespmem:s3], [sflag:$0x3] =	stream.indirect_vreg.gather [hbm4b:s4+s2], $0x80, v4, vm0, $0xb8;
	[tilespmem:$0x18400] =	vst v63  }
0xee: {  	_ = 	snop  }
0xef: {  	[tilespmem:s6], [sflag:$0x3] =	stream.indirect_vreg.gather [hbm4b:s4+s2], $0x80, v3, vm0, $0xb8;
	[tilespmem:$0x18400] =	vst v63  }
0xf0: {  	v3 =	vld [tilespmem:$0x140];
	_ =	sdelay $0x4  }
0xf1: {  	v20 =	vshll.u32 v3, $0x1  }
0xf2: {  	v3 =	vand.u32 $0x7, v3;
	v4 =	vand.u32 $0xFFFFFFF0, v20  }
0xf3: {  	v3 =	vor.u32 v3, v4  }
0xf4: {  	v4 =	vperm.xlane v3, v0;
	_ =	sdelay $0x1  }
0xf5: {  	v3 =	vperm.xlane v3, v2;
	v4 =	vadd.s32 v1, v4;
	_ =	sdelay $0x1  }
0xf6: {  	v3 =	vadd.s32 v1, v3;
	_ =	sdelay $0x2  }
0xf7: {  	[tilespmem:s8], [sflag:$0x3] =	stream.indirect_vreg.gather [hbm4b:s4+s2], $0x80, v4, vm0, $0xb8;
	[tilespmem:$0x18400] =	vst v63  }
0xf8: {  	_ = 	snop  }
0xf9: {  	[tilespmem:s9], [sflag:$0x3] =	stream.indirect_vreg.gather [hbm4b:s4+s2], $0x80, v3, vm0, $0xb8;
	[tilespmem:$0x18400] =	vst v63  }
0xfa: {  	v3 =	vld [tilespmem:$0x150];
	_ =	sdelay $0x4  }
0xfb: {  	v21 =	vshll.u32 v3, $0x1  }
0xfc: {  	v3 =	vand.u32 $0x7, v3;
	v4 =	vand.u32 $0xFFFFFFF0, v21  }
0xfd: {  	v3 =	vor.u32 v3, v4  }
0xfe: {  	v4 =	vperm.xlane v3, v0;
	_ =	sdelay $0x1  }
0xff: {  	v3 =	vperm.xlane v3, v2;
	v4 =	vadd.s32 v1, v4;
	_ =	sdelay $0x1  }
0x100: {  	v3 =	vadd.s32 v1, v3;
	_ =	sdelay $0x2  }
0x101: {  	[tilespmem:s20], [sflag:$0x3] =	stream.indirect_vreg.gather [hbm4b:s4+s2], $0x80, v4, vm0, $0xb8;
	[tilespmem:$0x18400] =	vst v63  }
0x102: {  	_ = 	snop  }
0x103: {  	[tilespmem:s21], [sflag:$0x3] =	stream.indirect_vreg.gather [hbm4b:s4+s2], $0x80, v3, vm0, $0xb8;
	[tilespmem:$0x18400] =	vst v63  }
0x104: {  	v3 =	vld [tilespmem:$0x160];
	_ =	sdelay $0x4  }
0x105: {  	v22 =	vshll.u32 v3, $0x1  }
0x106: {  	v3 =	vand.u32 $0x7, v3;
	v4 =	vand.u32 $0xFFFFFFF0, v22  }
0x107: {  	v3 =	vor.u32 v3, v4  }
0x108: {  	v4 =	vperm.xlane v3, v0;
	_ =	sdelay $0x1  }
0x109: {  	v3 =	vperm.xlane v3, v2;
	v4 =	vadd.s32 v1, v4;
	_ =	sdelay $0x1  }
0x10a: {  	v3 =	vadd.s32 v1, v3;
	_ =	sdelay $0x2  }
0x10b: {  	[tilespmem:s22], [sflag:$0x3] =	stream.indirect_vreg.gather [hbm4b:s4+s2], $0x80, v4, vm0, $0xb8;
	[tilespmem:$0x18400] =	vst v63  }
0x10c: {  	_ = 	snop  }
0x10d: {  	[tilespmem:s24], [sflag:$0x3] =	stream.indirect_vreg.gather [hbm4b:s4+s2], $0x80, v3, vm0, $0xb8;
	[tilespmem:$0x18400] =	vst v63  }
0x10e: {  	v3 =	vld [tilespmem:$0x170];
	_ =	sdelay $0x4  }
0x10f: {  	v23 =	vshll.u32 v3, $0x1  }
0x110: {  	v3 =	vand.u32 $0x7, v3;
	v4 =	vand.u32 $0xFFFFFFF0, v23  }
0x111: {  	v3 =	vor.u32 v3, v4  }
0x112: {  	v4 =	vperm.xlane v3, v0;
	_ =	sdelay $0x1  }
0x113: {  	v3 =	vperm.xlane v3, v2;
	v4 =	vadd.s32 v1, v4;
	_ =	sdelay $0x1  }
0x114: {  	v3 =	vadd.s32 v1, v3;
	_ =	sdelay $0x2  }
0x115: {  	[tilespmem:s25], [sflag:$0x3] =	stream.indirect_vreg.gather [hbm4b:s4+s2], $0x80, v4, vm0, $0xb8;
	[tilespmem:$0x18400] =	vst v63  }
0x116: {  	_ = 	snop  }
0x117: {  	[tilespmem:s26], [sflag:$0x3] =	stream.indirect_vreg.gather [hbm4b:s4+s2], $0x80, v3, vm0, $0xb8;
	[tilespmem:$0x18400] =	vst v63  }
0x118: {  	_ =	swait.ge [sflag:s13], $0x8000  }
0x119: {  	[sflag:s13] =	ssyncset.done $0x0  }
0x11a: {  	s19 =	rddreg [dreg:$0xb];
	[sflag:s13] =	ssyncadd.s32 $0xFFFF8000  }
0x11b: {  	[hbm4b:s19+s2] =	stream.linear.scatter [tilespmem:s28], [sflag:$0x4], $0x8000, $0x38;
	[tilespmem:$0x18400] =	vst v63  }
0x11c: {  	_ =	swait.ge [sflag:s14], $0x8000  }
0x11d: {  	[sflag:s14] =	ssyncset.done $0x0  }
0x11e: {  	[sflag:s14] =	ssyncadd.s32 $0xFFFF8000  }
0x11f: {  	v3 =	vld [tilespmem:$0x180];
	_ =	sdelay $0x4  }
0x120: {  	v24 =	vshll.u32 v3, $0x1  }
0x121: {  	v3 =	vand.u32 $0x7, v3;
	v4 =	vand.u32 $0xFFFFFFF0, v24  }
0x122: {  	v3 =	vor.u32 v3, v4  }
0x123: {  	v4 =	vperm.xlane v3, v0;
	_ =	sdelay $0x1  }
0x124: {  	v3 =	vperm.xlane v3, v2;
	v4 =	vadd.s32 v1, v4;
	_ =	sdelay $0x1  }
0x125: {  	v3 =	vadd.s32 v1, v3;
	_ =	sdelay $0x2  }
0x126: {  	[tilespmem:s28], [sflag:$0x1] =	stream.indirect_vreg.gather [hbm4b:s4+s2], $0x80, v4, vm0, $0xb8;
	[tilespmem:$0x18400] =	vst v63  }
0x127: {  	s19 =	simm.s32 $0xC00  }
0x128: {  	[tilespmem:s19], [sflag:$0x1] =	stream.indirect_vreg.gather [hbm4b:s4+s2], $0x80, v3, vm0, $0xb8;
	[tilespmem:$0x18400] =	vst v63  }
0x129: {  	v3 =	vld [tilespmem:$0x190];
	_ =	sdelay $0x4  }
0x12a: {  	v25 =	vshll.u32 v3, $0x1  }
0x12b: {  	v3 =	vand.u32 $0x7, v3;
	v4 =	vand.u32 $0xFFFFFFF0, v25  }
0x12c: {  	v3 =	vor.u32 v3, v4  }
0x12d: {  	v4 =	vperm.xlane v3, v0;
	_ =	sdelay $0x1  }
0x12e: {  	v3 =	vperm.xlane v3, v2;
	v4 =	vadd.s32 v1, v4;
	_ =	sdelay $0x1  }
0x12f: {  	v3 =	vadd.s32 v1, v3;
	_ =	sdelay $0x1  }
0x130: {  	s19 =	simm.s32 $0x1400  }
0x131: {  	[tilespmem:s19], [sflag:$0x1] =	stream.indirect_vreg.gather [hbm4b:s4+s2], $0x80, v4, vm0, $0xb8;
	[tilespmem:$0x18400] =	vst v63  }
0x132: {  	s19 =	simm.s32 $0x1C00  }
0x133: {  	[tilespmem:s19], [sflag:$0x1] =	stream.indirect_vreg.gather [hbm4b:s4+s2], $0x80, v3, vm0, $0xb8;
	[tilespmem:$0x18400] =	vst v63  }
0x134: {  	v3 =	vld [tilespmem:$0x1A0];
	_ =	sdelay $0x4  }
0x135: {  	v26 =	vshll.u32 v3, $0x1  }
0x136: {  	v3 =	vand.u32 $0x7, v3;
	v4 =	vand.u32 $0xFFFFFFF0, v26  }
0x137: {  	v3 =	vor.u32 v3, v4  }
0x138: {  	v4 =	vperm.xlane v3, v0;
	_ =	sdelay $0x1  }
0x139: {  	v3 =	vperm.xlane v3, v2;
	v4 =	vadd.s32 v1, v4;
	_ =	sdelay $0x1  }
0x13a: {  	v3 =	vadd.s32 v1, v3;
	_ =	sdelay $0x1  }
0x13b: {  	s19 =	simm.s32 $0x2400  }
0x13c: {  	[tilespmem:s19], [sflag:$0x1] =	stream.indirect_vreg.gather [hbm4b:s4+s2], $0x80, v4, vm0, $0xb8;
	[tilespmem:$0x18400] =	vst v63  }
0x13d: {  	s19 =	simm.s32 $0x2C00  }
0x13e: {  	[tilespmem:s19], [sflag:$0x1] =	stream.indirect_vreg.gather [hbm4b:s4+s2], $0x80, v3, vm0, $0xb8;
	[tilespmem:$0x18400] =	vst v63  }
0x13f: {  	v3 =	vld [tilespmem:$0x1B0];
	_ =	sdelay $0x4  }
0x140: {  	v27 =	vshll.u32 v3, $0x1  }
0x141: {  	v3 =	vand.u32 $0x7, v3;
	v4 =	vand.u32 $0xFFFFFFF0, v27  }
0x142: {  	v3 =	vor.u32 v3, v4  }
0x143: {  	v4 =	vperm.xlane v3, v0;
	_ =	sdelay $0x1  }
0x144: {  	v3 =	vperm.xlane v3, v2;
	v4 =	vadd.s32 v1, v4;
	_ =	sdelay $0x1  }
0x145: {  	v3 =	vadd.s32 v1, v3;
	_ =	sdelay $0x1  }
0x146: {  	s19 =	simm.s32 $0x3400  }
0x147: {  	[tilespmem:s19], [sflag:$0x1] =	stream.indirect_vreg.gather [hbm4b:s4+s2], $0x80, v4, vm0, $0xb8;
	[tilespmem:$0x18400] =	vst v63  }
0x148: {  	s19 =	simm.s32 $0x3C00  }
0x149: {  	[tilespmem:s19], [sflag:$0x1] =	stream.indirect_vreg.gather [hbm4b:s4+s2], $0x80, v3, vm0, $0xb8;
	[tilespmem:$0x18400] =	vst v63  }
0x14a: {  	v3 =	vld [tilespmem:$0x1C0];
	_ =	sdelay $0x4  }
0x14b: {  	v28 =	vshll.u32 v3, $0x1  }
0x14c: {  	v3 =	vand.u32 $0x7, v3;
	v4 =	vand.u32 $0xFFFFFFF0, v28  }
0x14d: {  	v3 =	vor.u32 v3, v4  }
0x14e: {  	v4 =	vperm.xlane v3, v0;
	_ =	sdelay $0x1  }
0x14f: {  	v3 =	vperm.xlane v3, v2;
	v4 =	vadd.s32 v1, v4;
	_ =	sdelay $0x1  }
0x150: {  	v3 =	vadd.s32 v1, v3;
	_ =	sdelay $0x2  }
0x151: {  	[tilespmem:s29], [sflag:$0x1] =	stream.indirect_vreg.gather [hbm4b:s4+s2], $0x80, v4, vm0, $0xb8;
	[tilespmem:$0x18400] =	vst v63  }
0x152: {  	_ = 	snop  }
0x153: {  	[tilespmem:s30], [sflag:$0x1] =	stream.indirect_vreg.gather [hbm4b:s4+s2], $0x80, v3, vm0, $0xb8;
	[tilespmem:$0x18400] =	vst v63  }
0x154: {  	v3 =	vld [tilespmem:$0x1D0];
	_ =	sdelay $0x4  }
0x155: {  	v29 =	vshll.u32 v3, $0x1  }
0x156: {  	v3 =	vand.u32 $0x7, v3;
	v4 =	vand.u32 $0xFFFFFFF0, v29  }
0x157: {  	v3 =	vor.u32 v3, v4  }
0x158: {  	v4 =	vperm.xlane v3, v0;
	_ =	sdelay $0x1  }
0x159: {  	v3 =	vperm.xlane v3, v2;
	v4 =	vadd.s32 v1, v4;
	_ =	sdelay $0x1  }
0x15a: {  	v3 =	vadd.s32 v1, v3;
	_ =	sdelay $0x2  }
0x15b: {  	[tilespmem:s31], [sflag:$0x1] =	stream.indirect_vreg.gather [hbm4b:s4+s2], $0x80, v4, vm0, $0xb8;
	[tilespmem:$0x18400] =	vst v63  }
0x15c: {  	s19 =	simm.s32 $0x5C00  }
0x15d: {  	[tilespmem:s19], [sflag:$0x1] =	stream.indirect_vreg.gather [hbm4b:s4+s2], $0x80, v3, vm0, $0xb8;
	[tilespmem:$0x18400] =	vst v63  }
0x15e: {  	v3 =	vld [tilespmem:$0x1E0];
	_ =	sdelay $0x4  }
0x15f: {  	v30 =	vshll.u32 v3, $0x1  }
0x160: {  	v3 =	vand.u32 $0x7, v3;
	v4 =	vand.u32 $0xFFFFFFF0, v30  }
0x161: {  	v3 =	vor.u32 v3, v4  }
0x162: {  	v4 =	vperm.xlane v3, v0;
	_ =	sdelay $0x1  }
0x163: {  	v3 =	vperm.xlane v3, v2;
	v4 =	vadd.s32 v1, v4;
	_ =	sdelay $0x1  }
0x164: {  	v3 =	vadd.s32 v1, v3;
	_ =	sdelay $0x1  }
0x165: {  	s19 =	simm.s32 $0x6400  }
0x166: {  	[tilespmem:s19], [sflag:$0x1] =	stream.indirect_vreg.gather [hbm4b:s4+s2], $0x80, v4, vm0, $0xb8;
	[tilespmem:$0x18400] =	vst v63  }
0x167: {  	s19 =	simm.s32 $0x6C00  }
0x168: {  	[tilespmem:s19], [sflag:$0x1] =	stream.indirect_vreg.gather [hbm4b:s4+s2], $0x80, v3, vm0, $0xb8;
	[tilespmem:$0x18400] =	vst v63  }
0x169: {  	v3 =	vld [tilespmem:$0x1F0];
	_ =	sdelay $0x4  }
0x16a: {  	v31 =	vshll.u32 v3, $0x1  }
0x16b: {  	v3 =	vand.u32 $0x7, v3;
	v4 =	vand.u32 $0xFFFFFFF0, v31  }
0x16c: {  	v3 =	vor.u32 v3, v4  }
0x16d: {  	v4 =	vperm.xlane v3, v0;
	_ =	sdelay $0x1  }
0x16e: {  	v3 =	vperm.xlane v3, v2;
	v4 =	vadd.s32 v1, v4;
	_ =	sdelay $0x1  }
0x16f: {  	v3 =	vadd.s32 v1, v3;
	_ =	sdelay $0x1  }
0x170: {  	s19 =	simm.s32 $0x7400  }
0x171: {  	[tilespmem:s19], [sflag:$0x1] =	stream.indirect_vreg.gather [hbm4b:s4+s2], $0x80, v4, vm0, $0xb8;
	[tilespmem:$0x18400] =	vst v63  }
0x172: {  	s19 =	simm.s32 $0x7C00  }
0x173: {  	[tilespmem:s19], [sflag:$0x1] =	stream.indirect_vreg.gather [hbm4b:s4+s2], $0x80, v3, vm0, $0xb8;
	[tilespmem:$0x18400] =	vst v63  }
0x174: {  	_ =	swait.ge [sflag:s15], $0x8000  }
0x175: {  	[sflag:s15] =	ssyncset.done $0x0  }
0x176: {  	s19 =	rddreg [dreg:$0x4];
	[sflag:s15] =	ssyncadd.s32 $0xFFFF8000  }
0x177: {  	[hbm4b:s19+s2] =	stream.linear.scatter [tilespmem:s23], [sflag:$0x5], $0x8000, $0x38;
	[tilespmem:$0x18400] =	vst v63  }
0x178: {  	_ =	swait.ge [sflag:s16], $0x8000  }
0x179: {  	[sflag:s16] =	ssyncset.done $0x0  }
0x17a: {  	[sflag:s16] =	ssyncadd.s32 $0xFFFF8000  }
0x17b: {  	v3 =	vld [tilespmem:$0x200];
	_ =	sdelay $0x4  }
0x17c: {  	v32 =	vshll.u32 v3, $0x1  }
0x17d: {  	v3 =	vand.u32 $0x7, v3;
	v4 =	vand.u32 $0xFFFFFFF0, v32  }
0x17e: {  	v3 =	vor.u32 v3, v4  }
0x17f: {  	v4 =	vperm.xlane v3, v0;
	_ =	sdelay $0x1  }
0x180: {  	v3 =	vperm.xlane v3, v2;
	v4 =	vadd.s32 v1, v4;
	_ =	sdelay $0x1  }
0x181: {  	v3 =	vadd.s32 v1, v3;
	_ =	sdelay $0x2  }
0x182: {  	[tilespmem:s23], [sflag:$0x2] =	stream.indirect_vreg.gather [hbm4b:s4+s2], $0x80, v4, vm0, $0xb8;
	[tilespmem:$0x18400] =	vst v63  }
0x183: {  	s19 =	simm.s32 $0x8C00  }
0x184: {  	[tilespmem:s19], [sflag:$0x2] =	stream.indirect_vreg.gather [hbm4b:s4+s2], $0x80, v3, vm0, $0xb8;
	[tilespmem:$0x18400] =	vst v63  }
0x185: {  	v3 =	vld [tilespmem:$0x210];
	_ =	sdelay $0x4  }
0x186: {  	v33 =	vshll.u32 v3, $0x1  }
0x187: {  	v3 =	vand.u32 $0x7, v3;
	v4 =	vand.u32 $0xFFFFFFF0, v33  }
0x188: {  	v3 =	vor.u32 v3, v4  }
0x189: {  	v4 =	vperm.xlane v3, v0;
	_ =	sdelay $0x1  }
0x18a: {  	v3 =	vperm.xlane v3, v2;
	v4 =	vadd.s32 v1, v4;
	_ =	sdelay $0x1  }
0x18b: {  	v3 =	vadd.s32 v1, v3;
	_ =	sdelay $0x1  }
0x18c: {  	s19 =	simm.s32 $0x9400  }
0x18d: {  	[tilespmem:s19], [sflag:$0x2] =	stream.indirect_vreg.gather [hbm4b:s4+s2], $0x80, v4, vm0, $0xb8;
	[tilespmem:$0x18400] =	vst v63  }
0x18e: {  	s19 =	simm.s32 $0x9C00  }
0x18f: {  	[tilespmem:s19], [sflag:$0x2] =	stream.indirect_vreg.gather [hbm4b:s4+s2], $0x80, v3, vm0, $0xb8;
	[tilespmem:$0x18400] =	vst v63  }
0x190: {  	v3 =	vld [tilespmem:$0x220];
	_ =	sdelay $0x4  }
0x191: {  	v34 =	vshll.u32 v3, $0x1  }
0x192: {  	v3 =	vand.u32 $0x7, v3;
	v4 =	vand.u32 $0xFFFFFFF0, v34  }
0x193: {  	v3 =	vor.u32 v3, v4  }
0x194: {  	v4 =	vperm.xlane v3, v0;
	_ =	sdelay $0x1  }
0x195: {  	v3 =	vperm.xlane v3, v2;
	v4 =	vadd.s32 v1, v4;
	_ =	sdelay $0x1  }
0x196: {  	v3 =	vadd.s32 v1, v3;
	_ =	sdelay $0x1  }
0x197: {  	s19 =	simm.s32 $0xA400  }
0x198: {  	[tilespmem:s19], [sflag:$0x2] =	stream.indirect_vreg.gather [hbm4b:s4+s2], $0x80, v4, vm0, $0xb8;
	[tilespmem:$0x18400] =	vst v63  }
0x199: {  	s19 =	simm.s32 $0xAC00  }
0x19a: {  	[tilespmem:s19], [sflag:$0x2] =	stream.indirect_vreg.gather [hbm4b:s4+s2], $0x80, v3, vm0, $0xb8;
	[tilespmem:$0x18400] =	vst v63  }
0x19b: {  	v3 =	vld [tilespmem:$0x230];
	_ =	sdelay $0x4  }
0x19c: {  	v35 =	vshll.u32 v3, $0x1  }
0x19d: {  	v3 =	vand.u32 $0x7, v3;
	v4 =	vand.u32 $0xFFFFFFF0, v35  }
0x19e: {  	v3 =	vor.u32 v3, v4  }
0x19f: {  	v4 =	vperm.xlane v3, v0;
	_ =	sdelay $0x1  }
0x1a0: {  	v3 =	vperm.xlane v3, v2;
	v4 =	vadd.s32 v1, v4;
	_ =	sdelay $0x1  }
0x1a1: {  	v3 =	vadd.s32 v1, v3;
	_ =	sdelay $0x1  }
0x1a2: {  	s19 =	simm.s32 $0xB400  }
0x1a3: {  	[tilespmem:s19], [sflag:$0x2] =	stream.indirect_vreg.gather [hbm4b:s4+s2], $0x80, v4, vm0, $0xb8;
	[tilespmem:$0x18400] =	vst v63  }
0x1a4: {  	s19 =	simm.s32 $0xBC00  }
0x1a5: {  	[tilespmem:s19], [sflag:$0x2] =	stream.indirect_vreg.gather [hbm4b:s4+s2], $0x80, v3, vm0, $0xb8;
	[tilespmem:$0x18400] =	vst v63  }
0x1a6: {  	v3 =	vld [tilespmem:$0x240];
	_ =	sdelay $0x4  }
0x1a7: {  	v36 =	vshll.u32 v3, $0x1  }
0x1a8: {  	v3 =	vand.u32 $0x7, v3;
	v4 =	vand.u32 $0xFFFFFFF0, v36  }
0x1a9: {  	v3 =	vor.u32 v3, v4  }
0x1aa: {  	v4 =	vperm.xlane v3, v0;
	_ =	sdelay $0x1  }
0x1ab: {  	v3 =	vperm.xlane v3, v2;
	v4 =	vadd.s32 v1, v4;
	_ =	sdelay $0x1  }
0x1ac: {  	v3 =	vadd.s32 v1, v3;
	_ =	sdelay $0x1  }
0x1ad: {  	s19 =	simm.s32 $0xC400  }
0x1ae: {  	[tilespmem:s19], [sflag:$0x2] =	stream.indirect_vreg.gather [hbm4b:s4+s2], $0x80, v4, vm0, $0xb8;
	[tilespmem:$0x18400] =	vst v63  }
0x1af: {  	s19 =	simm.s32 $0xCC00  }
0x1b0: {  	[tilespmem:s19], [sflag:$0x2] =	stream.indirect_vreg.gather [hbm4b:s4+s2], $0x80, v3, vm0, $0xb8;
	[tilespmem:$0x18400] =	vst v63  }
0x1b1: {  	v3 =	vld [tilespmem:$0x250];
	_ =	sdelay $0x4  }
0x1b2: {  	v37 =	vshll.u32 v3, $0x1  }
0x1b3: {  	v3 =	vand.u32 $0x7, v3;
	v4 =	vand.u32 $0xFFFFFFF0, v37  }
0x1b4: {  	v3 =	vor.u32 v3, v4  }
0x1b5: {  	v4 =	vperm.xlane v3, v0;
	_ =	sdelay $0x1  }
0x1b6: {  	v3 =	vperm.xlane v3, v2;
	v4 =	vadd.s32 v1, v4;
	_ =	sdelay $0x1  }
0x1b7: {  	v3 =	vadd.s32 v1, v3;
	_ =	sdelay $0x1  }
0x1b8: {  	s19 =	simm.s32 $0xD400  }
0x1b9: {  	[tilespmem:s19], [sflag:$0x2] =	stream.indirect_vreg.gather [hbm4b:s4+s2], $0x80, v4, vm0, $0xb8;
	[tilespmem:$0x18400] =	vst v63  }
0x1ba: {  	s19 =	simm.s32 $0xDC00  }
0x1bb: {  	[tilespmem:s19], [sflag:$0x2] =	stream.indirect_vreg.gather [hbm4b:s4+s2], $0x80, v3, vm0, $0xb8;
	[tilespmem:$0x18400] =	vst v63  }
0x1bc: {  	v3 =	vld [tilespmem:$0x260];
	_ =	sdelay $0x4  }
0x1bd: {  	v38 =	vshll.u32 v3, $0x1  }
0x1be: {  	v3 =	vand.u32 $0x7, v3;
	v4 =	vand.u32 $0xFFFFFFF0, v38  }
0x1bf: {  	v3 =	vor.u32 v3, v4  }
0x1c0: {  	v4 =	vperm.xlane v3, v0;
	_ =	sdelay $0x1  }
0x1c1: {  	v3 =	vperm.xlane v3, v2;
	v4 =	vadd.s32 v1, v4;
	_ =	sdelay $0x1  }
0x1c2: {  	v3 =	vadd.s32 v1, v3;
	_ =	sdelay $0x1  }
0x1c3: {  	s19 =	simm.s32 $0xE400  }
0x1c4: {  	[tilespmem:s19], [sflag:$0x2] =	stream.indirect_vreg.gather [hbm4b:s4+s2], $0x80, v4, vm0, $0xb8;
	[tilespmem:$0x18400] =	vst v63  }
0x1c5: {  	s19 =	simm.s32 $0xEC00  }
0x1c6: {  	[tilespmem:s19], [sflag:$0x2] =	stream.indirect_vreg.gather [hbm4b:s4+s2], $0x80, v3, vm0, $0xb8;
	[tilespmem:$0x18400] =	vst v63  }
0x1c7: {  	v3 =	vld [tilespmem:$0x270];
	_ =	sdelay $0x4  }
0x1c8: {  	v39 =	vshll.u32 v3, $0x1  }
0x1c9: {  	v3 =	vand.u32 $0x7, v3;
	v4 =	vand.u32 $0xFFFFFFF0, v39  }
0x1ca: {  	v3 =	vor.u32 v3, v4  }
0x1cb: {  	v4 =	vperm.xlane v3, v0;
	_ =	sdelay $0x1  }
0x1cc: {  	v3 =	vperm.xlane v3, v2;
	v4 =	vadd.s32 v1, v4;
	_ =	sdelay $0x1  }
0x1cd: {  	v3 =	vadd.s32 v1, v3;
	_ =	sdelay $0x1  }
0x1ce: {  	s19 =	simm.s32 $0xF400  }
0x1cf: {  	[tilespmem:s19], [sflag:$0x2] =	stream.indirect_vreg.gather [hbm4b:s4+s2], $0x80, v4, vm0, $0xb8;
	[tilespmem:$0x18400] =	vst v63  }
0x1d0: {  	s19 =	simm.s32 $0xFC00  }
0x1d1: {  	[tilespmem:s19], [sflag:$0x2] =	stream.indirect_vreg.gather [hbm4b:s4+s2], $0x80, v3, vm0, $0xb8;
	[tilespmem:$0x18400] =	vst v63  }
0x1d2: {  	_ =	swait.ge [sflag:s17], $0x8000  }
0x1d3: {  	[sflag:s17] =	ssyncset.done $0x0  }
0x1d4: {  	s19 =	rddreg [dreg:$0x5];
	[sflag:s17] =	ssyncadd.s32 $0xFFFF8000  }
0x1d5: {  	[hbm4b:s19+s2] =	stream.linear.scatter [tilespmem:s0], [sflag:$0x6], $0x8000, $0x38;
	[tilespmem:$0x18400] =	vst v63  }
0x1d6: {  	_ =	swait.ge [sflag:s18], $0x8000  }
0x1d7: {  	[sflag:s18] =	ssyncset.done $0x0  }
0x1d8: {  	[sflag:s18] =	ssyncadd.s32 $0xFFFF8000  }
0x1d9: {  	v3 =	vld [tilespmem:$0x280];
	_ =	sdelay $0x4  }
0x1da: {  	v40 =	vshll.u32 v3, $0x1  }
0x1db: {  	v3 =	vand.u32 $0x7, v3;
	v4 =	vand.u32 $0xFFFFFFF0, v40  }
0x1dc: {  	v3 =	vor.u32 v3, v4  }
0x1dd: {  	v4 =	vperm.xlane v3, v0;
	_ =	sdelay $0x1  }
0x1de: {  	v3 =	vperm.xlane v3, v2;
	v4 =	vadd.s32 v1, v4;
	_ =	sdelay $0x1  }
0x1df: {  	v3 =	vadd.s32 v1, v3;
	_ =	sdelay $0x2  }
0x1e0: {  	[tilespmem:s0], [sflag:$0x3] =	stream.indirect_vreg.gather [hbm4b:s4+s2], $0x80, v4, vm0, $0xb8;
	[tilespmem:$0x18400] =	vst v63  }
0x1e1: {  	_ = 	snop  }
0x1e2: {  	[tilespmem:s7], [sflag:$0x3] =	stream.indirect_vreg.gather [hbm4b:s4+s2], $0x80, v3, vm0, $0xb8;
	[tilespmem:$0x18400] =	vst v63  }
0x1e3: {  	v3 =	vld [tilespmem:$0x290];
	_ =	sdelay $0x4  }
0x1e4: {  	v41 =	vshll.u32 v3, $0x1  }
0x1e5: {  	v3 =	vand.u32 $0x7, v3;
	v4 =	vand.u32 $0xFFFFFFF0, v41  }
0x1e6: {  	v3 =	vor.u32 v3, v4  }
0x1e7: {  	v4 =	vperm.xlane v3, v0;
	_ =	sdelay $0x1  }
0x1e8: {  	v3 =	vperm.xlane v3, v2;
	v4 =	vadd.s32 v1, v4;
	_ =	sdelay $0x1  }
0x1e9: {  	v3 =	vadd.s32 v1, v3;
	_ =	sdelay $0x2  }
0x1ea: {  	[tilespmem:s10], [sflag:$0x3] =	stream.indirect_vreg.gather [hbm4b:s4+s2], $0x80, v4, vm0, $0xb8;
	[tilespmem:$0x18400] =	vst v63  }
0x1eb: {  	_ = 	snop  }
0x1ec: {  	[tilespmem:s11], [sflag:$0x3] =	stream.indirect_vreg.gather [hbm4b:s4+s2], $0x80, v3, vm0, $0xb8;
	[tilespmem:$0x18400] =	vst v63  }
0x1ed: {  	v3 =	vld [tilespmem:$0x2A0];
	_ =	sdelay $0x4  }
0x1ee: {  	v42 =	vshll.u32 v3, $0x1  }
0x1ef: {  	v3 =	vand.u32 $0x7, v3;
	v4 =	vand.u32 $0xFFFFFFF0, v42  }
0x1f0: {  	v3 =	vor.u32 v3, v4  }
0x1f1: {  	v4 =	vperm.xlane v3, v0;
	_ =	sdelay $0x1  }
0x1f2: {  	v3 =	vperm.xlane v3, v2;
	v4 =	vadd.s32 v1, v4;
	_ =	sdelay $0x1  }
0x1f3: {  	v3 =	vadd.s32 v1, v3;
	_ =	sdelay $0x2  }
0x1f4: {  	[tilespmem:s12], [sflag:$0x3] =	stream.indirect_vreg.gather [hbm4b:s4+s2], $0x80, v4, vm0, $0xb8;
	[tilespmem:$0x18400] =	vst v63  }
0x1f5: {  	_ = 	snop  }
0x1f6: {  	[tilespmem:s1], [sflag:$0x3] =	stream.indirect_vreg.gather [hbm4b:s4+s2], $0x80, v3, vm0, $0xb8;
	[tilespmem:$0x18400] =	vst v63  }
0x1f7: {  	v3 =	vld [tilespmem:$0x2B0];
	_ =	sdelay $0x4  }
0x1f8: {  	v43 =	vshll.u32 v3, $0x1  }
0x1f9: {  	v3 =	vand.u32 $0x7, v3;
	v4 =	vand.u32 $0xFFFFFFF0, v43  }
0x1fa: {  	v3 =	vor.u32 v3, v4  }
0x1fb: {  	v4 =	vperm.xlane v3, v0;
	_ =	sdelay $0x1  }
0x1fc: {  	v3 =	vperm.xlane v3, v2;
	v4 =	vadd.s32 v1, v4;
	_ =	sdelay $0x1  }
0x1fd: {  	v3 =	vadd.s32 v1, v3;
	_ =	sdelay $0x2  }
0x1fe: {  	[tilespmem:s3], [sflag:$0x3] =	stream.indirect_vreg.gather [hbm4b:s4+s2], $0x80, v4, vm0, $0xb8;
	[tilespmem:$0x18400] =	vst v63  }
0x1ff: {  	_ = 	snop  }
0x200: {  	[tilespmem:s6], [sflag:$0x3] =	stream.indirect_vreg.gather [hbm4b:s4+s2], $0x80, v3, vm0, $0xb8;
	[tilespmem:$0x18400] =	vst v63  }
0x201: {  	v3 =	vld [tilespmem:$0x2C0];
	_ =	sdelay $0x4  }
0x202: {  	v44 =	vshll.u32 v3, $0x1  }
0x203: {  	v3 =	vand.u32 $0x7, v3;
	v4 =	vand.u32 $0xFFFFFFF0, v44  }
0x204: {  	v3 =	vor.u32 v3, v4  }
0x205: {  	v4 =	vperm.xlane v3, v0;
	_ =	sdelay $0x1  }
0x206: {  	v3 =	vperm.xlane v3, v2;
	v4 =	vadd.s32 v1, v4;
	_ =	sdelay $0x1  }
0x207: {  	v3 =	vadd.s32 v1, v3;
	_ =	sdelay $0x2  }
0x208: {  	[tilespmem:s8], [sflag:$0x3] =	stream.indirect_vreg.gather [hbm4b:s4+s2], $0x80, v4, vm0, $0xb8;
	[tilespmem:$0x18400] =	vst v63  }
0x209: {  	_ = 	snop  }
0x20a: {  	[tilespmem:s9], [sflag:$0x3] =	stream.indirect_vreg.gather [hbm4b:s4+s2], $0x80, v3, vm0, $0xb8;
	[tilespmem:$0x18400] =	vst v63  }
0x20b: {  	v3 =	vld [tilespmem:$0x2D0];
	_ =	sdelay $0x4  }
0x20c: {  	v45 =	vshll.u32 v3, $0x1  }
0x20d: {  	v3 =	vand.u32 $0x7, v3;
	v4 =	vand.u32 $0xFFFFFFF0, v45  }
0x20e: {  	v3 =	vor.u32 v3, v4  }
0x20f: {  	v4 =	vperm.xlane v3, v0;
	_ =	sdelay $0x1  }
0x210: {  	v3 =	vperm.xlane v3, v2;
	v4 =	vadd.s32 v1, v4;
	_ =	sdelay $0x1  }
0x211: {  	v3 =	vadd.s32 v1, v3;
	_ =	sdelay $0x2  }
0x212: {  	[tilespmem:s20], [sflag:$0x3] =	stream.indirect_vreg.gather [hbm4b:s4+s2], $0x80, v4, vm0, $0xb8;
	[tilespmem:$0x18400] =	vst v63  }
0x213: {  	_ = 	snop  }
0x214: {  	[tilespmem:s21], [sflag:$0x3] =	stream.indirect_vreg.gather [hbm4b:s4+s2], $0x80, v3, vm0, $0xb8;
	[tilespmem:$0x18400] =	vst v63  }
0x215: {  	v3 =	vld [tilespmem:$0x2E0];
	_ =	sdelay $0x4  }
0x216: {  	v46 =	vshll.u32 v3, $0x1  }
0x217: {  	v3 =	vand.u32 $0x7, v3;
	v4 =	vand.u32 $0xFFFFFFF0, v46  }
0x218: {  	v3 =	vor.u32 v3, v4  }
0x219: {  	v4 =	vperm.xlane v3, v0;
	_ =	sdelay $0x1  }
0x21a: {  	v3 =	vperm.xlane v3, v2;
	v4 =	vadd.s32 v1, v4;
	_ =	sdelay $0x1  }
0x21b: {  	v3 =	vadd.s32 v1, v3;
	_ =	sdelay $0x2  }
0x21c: {  	[tilespmem:s22], [sflag:$0x3] =	stream.indirect_vreg.gather [hbm4b:s4+s2], $0x80, v4, vm0, $0xb8;
	[tilespmem:$0x18400] =	vst v63  }
0x21d: {  	_ = 	snop  }
0x21e: {  	[tilespmem:s24], [sflag:$0x3] =	stream.indirect_vreg.gather [hbm4b:s4+s2], $0x80, v3, vm0, $0xb8;
	[tilespmem:$0x18400] =	vst v63  }
0x21f: {  	v3 =	vld [tilespmem:$0x2F0];
	_ =	sdelay $0x4  }
0x220: {  	v47 =	vshll.u32 v3, $0x1  }
0x221: {  	v3 =	vand.u32 $0x7, v3;
	v4 =	vand.u32 $0xFFFFFFF0, v47  }
0x222: {  	v3 =	vor.u32 v3, v4  }
0x223: {  	v4 =	vperm.xlane v3, v0;
	_ =	sdelay $0x1  }
0x224: {  	v3 =	vperm.xlane v3, v2;
	v4 =	vadd.s32 v1, v4;
	_ =	sdelay $0x1  }
0x225: {  	v3 =	vadd.s32 v1, v3;
	_ =	sdelay $0x2  }
0x226: {  	[tilespmem:s25], [sflag:$0x3] =	stream.indirect_vreg.gather [hbm4b:s4+s2], $0x80, v4, vm0, $0xb8;
	[tilespmem:$0x18400] =	vst v63  }
0x227: {  	_ = 	snop  }
0x228: {  	[tilespmem:s26], [sflag:$0x3] =	stream.indirect_vreg.gather [hbm4b:s4+s2], $0x80, v3, vm0, $0xb8;
	[tilespmem:$0x18400] =	vst v63  }
0x229: {  	_ =	swait.ge [sflag:s13], $0x8000  }
0x22a: {  	[sflag:s13] =	ssyncset.done $0x0  }
0x22b: {  	s1 =	rddreg [dreg:$0x6];
	[sflag:s13] =	ssyncadd.s32 $0xFFFF8000  }
0x22c: {  	[hbm4b:s1+s2] =	stream.linear.scatter [tilespmem:s28], [sflag:$0x4], $0x8000, $0x38;
	[tilespmem:$0x18400] =	vst v63  }
0x22d: {  	_ =	swait.ge [sflag:s14], $0x8000  }
0x22e: {  	[sflag:s14] =	ssyncset.done $0x0  }
0x22f: {  	[sflag:s14] =	ssyncadd.s32 $0xFFFF8000  }
0x230: {  	v3 =	vld [tilespmem:$0x300];
	_ =	sdelay $0x4  }
0x231: {  	v48 =	vshll.u32 v3, $0x1  }
0x232: {  	v3 =	vand.u32 $0x7, v3;
	v4 =	vand.u32 $0xFFFFFFF0, v48  }
0x233: {  	v3 =	vor.u32 v3, v4  }
0x234: {  	v4 =	vperm.xlane v3, v0;
	_ =	sdelay $0x1  }
0x235: {  	v3 =	vperm.xlane v3, v2;
	v4 =	vadd.s32 v1, v4;
	_ =	sdelay $0x1  }
0x236: {  	v3 =	vadd.s32 v1, v3;
	_ =	sdelay $0x2  }
0x237: {  	[tilespmem:s28], [sflag:$0x1] =	stream.indirect_vreg.gather [hbm4b:s4+s2], $0x80, v4, vm0, $0xb8;
	[tilespmem:$0x18400] =	vst v63  }
0x238: {  	s19 =	simm.s32 $0xC00  }
0x239: {  	[tilespmem:s19], [sflag:$0x1] =	stream.indirect_vreg.gather [hbm4b:s4+s2], $0x80, v3, vm0, $0xb8;
	[tilespmem:$0x18400] =	vst v63  }
0x23a: {  	v3 =	vld [tilespmem:$0x310];
	_ =	sdelay $0x4  }
0x23b: {  	v49 =	vshll.u32 v3, $0x1  }
0x23c: {  	v3 =	vand.u32 $0x7, v3;
	v4 =	vand.u32 $0xFFFFFFF0, v49  }
0x23d: {  	v3 =	vor.u32 v3, v4  }
0x23e: {  	v4 =	vperm.xlane v3, v0;
	_ =	sdelay $0x1  }
0x23f: {  	v3 =	vperm.xlane v3, v2;
	v4 =	vadd.s32 v1, v4;
	_ =	sdelay $0x1  }
0x240: {  	v3 =	vadd.s32 v1, v3;
	_ =	sdelay $0x1  }
0x241: {  	s19 =	simm.s32 $0x1400  }
0x242: {  	[tilespmem:s19], [sflag:$0x1] =	stream.indirect_vreg.gather [hbm4b:s4+s2], $0x80, v4, vm0, $0xb8;
	[tilespmem:$0x18400] =	vst v63  }
0x243: {  	s19 =	simm.s32 $0x1C00  }
0x244: {  	[tilespmem:s19], [sflag:$0x1] =	stream.indirect_vreg.gather [hbm4b:s4+s2], $0x80, v3, vm0, $0xb8;
	[tilespmem:$0x18400] =	vst v63  }
0x245: {  	v3 =	vld [tilespmem:$0x320];
	_ =	sdelay $0x4  }
0x246: {  	v50 =	vshll.u32 v3, $0x1  }
0x247: {  	v3 =	vand.u32 $0x7, v3;
	v4 =	vand.u32 $0xFFFFFFF0, v50  }
0x248: {  	v3 =	vor.u32 v3, v4  }
0x249: {  	v4 =	vperm.xlane v3, v0;
	_ =	sdelay $0x1  }
0x24a: {  	v3 =	vperm.xlane v3, v2;
	v4 =	vadd.s32 v1, v4;
	_ =	sdelay $0x1  }
0x24b: {  	v3 =	vadd.s32 v1, v3;
	_ =	sdelay $0x1  }
0x24c: {  	s19 =	simm.s32 $0x2400  }
0x24d: {  	[tilespmem:s19], [sflag:$0x1] =	stream.indirect_vreg.gather [hbm4b:s4+s2], $0x80, v4, vm0, $0xb8;
	[tilespmem:$0x18400] =	vst v63  }
0x24e: {  	s19 =	simm.s32 $0x2C00  }
0x24f: {  	[tilespmem:s19], [sflag:$0x1] =	stream.indirect_vreg.gather [hbm4b:s4+s2], $0x80, v3, vm0, $0xb8;
	[tilespmem:$0x18400] =	vst v63  }
0x250: {  	v3 =	vld [tilespmem:$0x330];
	_ =	sdelay $0x4  }
0x251: {  	v51 =	vshll.u32 v3, $0x1  }
0x252: {  	v3 =	vand.u32 $0x7, v3;
	v4 =	vand.u32 $0xFFFFFFF0, v51  }
0x253: {  	v3 =	vor.u32 v3, v4  }
0x254: {  	v4 =	vperm.xlane v3, v0;
	_ =	sdelay $0x1  }
0x255: {  	v3 =	vperm.xlane v3, v2;
	v4 =	vadd.s32 v1, v4;
	_ =	sdelay $0x1  }
0x256: {  	v3 =	vadd.s32 v1, v3;
	_ =	sdelay $0x1  }
0x257: {  	s19 =	simm.s32 $0x3400  }
0x258: {  	[tilespmem:s19], [sflag:$0x1] =	stream.indirect_vreg.gather [hbm4b:s4+s2], $0x80, v4, vm0, $0xb8;
	[tilespmem:$0x18400] =	vst v63  }
0x259: {  	s19 =	simm.s32 $0x3C00  }
0x25a: {  	[tilespmem:s19], [sflag:$0x1] =	stream.indirect_vreg.gather [hbm4b:s4+s2], $0x80, v3, vm0, $0xb8;
	[tilespmem:$0x18400] =	vst v63  }
0x25b: {  	v3 =	vld [tilespmem:$0x340];
	_ =	sdelay $0x4  }
0x25c: {  	v52 =	vshll.u32 v3, $0x1  }
0x25d: {  	v3 =	vand.u32 $0x7, v3;
	v4 =	vand.u32 $0xFFFFFFF0, v52  }
0x25e: {  	v3 =	vor.u32 v3, v4  }
0x25f: {  	v4 =	vperm.xlane v3, v0;
	_ =	sdelay $0x1  }
0x260: {  	v3 =	vperm.xlane v3, v2;
	v4 =	vadd.s32 v1, v4;
	_ =	sdelay $0x1  }
0x261: {  	v3 =	vadd.s32 v1, v3;
	_ =	sdelay $0x2  }
0x262: {  	[tilespmem:s29], [sflag:$0x1] =	stream.indirect_vreg.gather [hbm4b:s4+s2], $0x80, v4, vm0, $0xb8;
	[tilespmem:$0x18400] =	vst v63  }
0x263: {  	_ = 	snop  }
0x264: {  	[tilespmem:s30], [sflag:$0x1] =	stream.indirect_vreg.gather [hbm4b:s4+s2], $0x80, v3, vm0, $0xb8;
	[tilespmem:$0x18400] =	vst v63  }
0x265: {  	v3 =	vld [tilespmem:$0x350];
	_ =	sdelay $0x4  }
0x266: {  	v53 =	vshll.u32 v3, $0x1  }
0x267: {  	v3 =	vand.u32 $0x7, v3;
	v4 =	vand.u32 $0xFFFFFFF0, v53  }
0x268: {  	v3 =	vor.u32 v3, v4  }
0x269: {  	v4 =	vperm.xlane v3, v0;
	_ =	sdelay $0x1  }
0x26a: {  	v3 =	vperm.xlane v3, v2;
	v4 =	vadd.s32 v1, v4;
	_ =	sdelay $0x1  }
0x26b: {  	v3 =	vadd.s32 v1, v3;
	_ =	sdelay $0x2  }
0x26c: {  	[tilespmem:s31], [sflag:$0x1] =	stream.indirect_vreg.gather [hbm4b:s4+s2], $0x80, v4, vm0, $0xb8;
	[tilespmem:$0x18400] =	vst v63  }
0x26d: {  	s19 =	simm.s32 $0x5C00  }
0x26e: {  	[tilespmem:s19], [sflag:$0x1] =	stream.indirect_vreg.gather [hbm4b:s4+s2], $0x80, v3, vm0, $0xb8;
	[tilespmem:$0x18400] =	vst v63  }
0x26f: {  	v3 =	vld [tilespmem:$0x360];
	_ =	sdelay $0x4  }
0x270: {  	v54 =	vshll.u32 v3, $0x1  }
0x271: {  	v3 =	vand.u32 $0x7, v3;
	v4 =	vand.u32 $0xFFFFFFF0, v54  }
0x272: {  	v3 =	vor.u32 v3, v4  }
0x273: {  	v4 =	vperm.xlane v3, v0;
	_ =	sdelay $0x1  }
0x274: {  	v3 =	vperm.xlane v3, v2;
	v4 =	vadd.s32 v1, v4;
	_ =	sdelay $0x1  }
0x275: {  	v3 =	vadd.s32 v1, v3;
	_ =	sdelay $0x1  }
0x276: {  	s19 =	simm.s32 $0x6400  }
0x277: {  	[tilespmem:s19], [sflag:$0x1] =	stream.indirect_vreg.gather [hbm4b:s4+s2], $0x80, v4, vm0, $0xb8;
	[tilespmem:$0x18400] =	vst v63  }
0x278: {  	s19 =	simm.s32 $0x6C00  }
0x279: {  	[tilespmem:s19], [sflag:$0x1] =	stream.indirect_vreg.gather [hbm4b:s4+s2], $0x80, v3, vm0, $0xb8;
	[tilespmem:$0x18400] =	vst v63  }
0x27a: {  	v3 =	vld [tilespmem:$0x370];
	_ =	sdelay $0x4  }
0x27b: {  	v55 =	vshll.u32 v3, $0x1  }
0x27c: {  	v3 =	vand.u32 $0x7, v3;
	v4 =	vand.u32 $0xFFFFFFF0, v55  }
0x27d: {  	v3 =	vor.u32 v3, v4  }
0x27e: {  	v4 =	vperm.xlane v3, v0;
	_ =	sdelay $0x1  }
0x27f: {  	v3 =	vperm.xlane v3, v2;
	v4 =	vadd.s32 v1, v4;
	_ =	sdelay $0x1  }
0x280: {  	v3 =	vadd.s32 v1, v3;
	_ =	sdelay $0x1  }
0x281: {  	s19 =	simm.s32 $0x7400  }
0x282: {  	[tilespmem:s19], [sflag:$0x1] =	stream.indirect_vreg.gather [hbm4b:s4+s2], $0x80, v4, vm0, $0xb8;
	[tilespmem:$0x18400] =	vst v63  }
0x283: {  	s19 =	simm.s32 $0x7C00  }
0x284: {  	[tilespmem:s19], [sflag:$0x1] =	stream.indirect_vreg.gather [hbm4b:s4+s2], $0x80, v3, vm0, $0xb8;
	[tilespmem:$0x18400] =	vst v63  }
0x285: {  	_ =	swait.ge [sflag:s15], $0x8000  }
0x286: {  	[sflag:s15] =	ssyncset.done $0x0  }
0x287: {  	s1 =	rddreg [dreg:$0x7];
	[sflag:s15] =	ssyncadd.s32 $0xFFFF8000  }
0x288: {  	[hbm4b:s1+s2] =	stream.linear.scatter [tilespmem:s23], [sflag:$0x5], $0x8000, $0x38;
	[tilespmem:$0x18400] =	vst v63  }
0x289: {  	_ =	swait.ge [sflag:s16], $0x8000  }
0x28a: {  	[sflag:s16] =	ssyncset.done $0x0  }
0x28b: {  	[sflag:s16] =	ssyncadd.s32 $0xFFFF8000  }
0x28c: {  	v3 =	vld [tilespmem:$0x380];
	_ =	sdelay $0x4  }
0x28d: {  	v56 =	vshll.u32 v3, $0x1  }
0x28e: {  	v3 =	vand.u32 $0x7, v3;
	v4 =	vand.u32 $0xFFFFFFF0, v56  }
0x28f: {  	v3 =	vor.u32 v3, v4  }
0x290: {  	v4 =	vperm.xlane v3, v0;
	_ =	sdelay $0x1  }
0x291: {  	v3 =	vperm.xlane v3, v2;
	v4 =	vadd.s32 v1, v4;
	_ =	sdelay $0x1  }
0x292: {  	v3 =	vadd.s32 v1, v3;
	_ =	sdelay $0x2  }
0x293: {  	[tilespmem:s23], [sflag:$0x2] =	stream.indirect_vreg.gather [hbm4b:s4+s2], $0x80, v4, vm0, $0xb8;
	[tilespmem:$0x18400] =	vst v63  }
0x294: {  	s19 =	simm.s32 $0x8C00  }
0x295: {  	[tilespmem:s19], [sflag:$0x2] =	stream.indirect_vreg.gather [hbm4b:s4+s2], $0x80, v3, vm0, $0xb8;
	[tilespmem:$0x18400] =	vst v63  }
0x296: {  	v3 =	vld [tilespmem:$0x390];
	_ =	sdelay $0x4  }
0x297: {  	v57 =	vshll.u32 v3, $0x1  }
0x298: {  	v3 =	vand.u32 $0x7, v3;
	v4 =	vand.u32 $0xFFFFFFF0, v57  }
0x299: {  	v3 =	vor.u32 v3, v4  }
0x29a: {  	v4 =	vperm.xlane v3, v0;
	_ =	sdelay $0x1  }
0x29b: {  	v3 =	vperm.xlane v3, v2;
	v4 =	vadd.s32 v1, v4;
	_ =	sdelay $0x1  }
0x29c: {  	v3 =	vadd.s32 v1, v3;
	_ =	sdelay $0x1  }
0x29d: {  	s19 =	simm.s32 $0x9400  }
0x29e: {  	[tilespmem:s19], [sflag:$0x2] =	stream.indirect_vreg.gather [hbm4b:s4+s2], $0x80, v4, vm0, $0xb8;
	[tilespmem:$0x18400] =	vst v63  }
0x29f: {  	s19 =	simm.s32 $0x9C00  }
0x2a0: {  	[tilespmem:s19], [sflag:$0x2] =	stream.indirect_vreg.gather [hbm4b:s4+s2], $0x80, v3, vm0, $0xb8;
	[tilespmem:$0x18400] =	vst v63  }
0x2a1: {  	v3 =	vld [tilespmem:$0x3A0];
	_ =	sdelay $0x4  }
0x2a2: {  	v58 =	vshll.u32 v3, $0x1  }
0x2a3: {  	v3 =	vand.u32 $0x7, v3;
	v4 =	vand.u32 $0xFFFFFFF0, v58  }
0x2a4: {  	v3 =	vor.u32 v3, v4  }
0x2a5: {  	v4 =	vperm.xlane v3, v0;
	_ =	sdelay $0x1  }
0x2a6: {  	v3 =	vperm.xlane v3, v2;
	v4 =	vadd.s32 v1, v4;
	_ =	sdelay $0x1  }
0x2a7: {  	v3 =	vadd.s32 v1, v3;
	_ =	sdelay $0x1  }
0x2a8: {  	s19 =	simm.s32 $0xA400  }
0x2a9: {  	[tilespmem:s19], [sflag:$0x2] =	stream.indirect_vreg.gather [hbm4b:s4+s2], $0x80, v4, vm0, $0xb8;
	[tilespmem:$0x18400] =	vst v63  }
0x2aa: {  	s19 =	simm.s32 $0xAC00  }
0x2ab: {  	[tilespmem:s19], [sflag:$0x2] =	stream.indirect_vreg.gather [hbm4b:s4+s2], $0x80, v3, vm0, $0xb8;
	[tilespmem:$0x18400] =	vst v63  }
0x2ac: {  	v3 =	vld [tilespmem:$0x3B0];
	_ =	sdelay $0x4  }
0x2ad: {  	v59 =	vshll.u32 v3, $0x1  }
0x2ae: {  	v3 =	vand.u32 $0x7, v3;
	v4 =	vand.u32 $0xFFFFFFF0, v59  }
0x2af: {  	v3 =	vor.u32 v3, v4  }
0x2b0: {  	v4 =	vperm.xlane v3, v0;
	_ =	sdelay $0x1  }
0x2b1: {  	v3 =	vperm.xlane v3, v2;
	v4 =	vadd.s32 v1, v4;
	_ =	sdelay $0x1  }
0x2b2: {  	v3 =	vadd.s32 v1, v3;
	_ =	sdelay $0x1  }
0x2b3: {  	s19 =	simm.s32 $0xB400  }
0x2b4: {  	[tilespmem:s19], [sflag:$0x2] =	stream.indirect_vreg.gather [hbm4b:s4+s2], $0x80, v4, vm0, $0xb8;
	[tilespmem:$0x18400] =	vst v63  }
0x2b5: {  	s19 =	simm.s32 $0xBC00  }
0x2b6: {  	[tilespmem:s19], [sflag:$0x2] =	stream.indirect_vreg.gather [hbm4b:s4+s2], $0x80, v3, vm0, $0xb8;
	[tilespmem:$0x18400] =	vst v63  }
0x2b7: {  	v3 =	vld [tilespmem:$0x3C0];
	_ =	sdelay $0x4  }
0x2b8: {  	v60 =	vshll.u32 v3, $0x1  }
0x2b9: {  	v3 =	vand.u32 $0x7, v3;
	v4 =	vand.u32 $0xFFFFFFF0, v60  }
0x2ba: {  	v3 =	vor.u32 v3, v4  }
0x2bb: {  	v4 =	vperm.xlane v3, v0;
	_ =	sdelay $0x1  }
0x2bc: {  	v3 =	vperm.xlane v3, v2;
	v4 =	vadd.s32 v1, v4;
	_ =	sdelay $0x1  }
0x2bd: {  	v3 =	vadd.s32 v1, v3;
	_ =	sdelay $0x1  }
0x2be: {  	s19 =	simm.s32 $0xC400  }
0x2bf: {  	[tilespmem:s19], [sflag:$0x2] =	stream.indirect_vreg.gather [hbm4b:s4+s2], $0x80, v4, vm0, $0xb8;
	[tilespmem:$0x18400] =	vst v63  }
0x2c0: {  	s19 =	simm.s32 $0xCC00  }
0x2c1: {  	[tilespmem:s19], [sflag:$0x2] =	stream.indirect_vreg.gather [hbm4b:s4+s2], $0x80, v3, vm0, $0xb8;
	[tilespmem:$0x18400] =	vst v63  }
0x2c2: {  	v3 =	vld [tilespmem:$0x3D0];
	_ =	sdelay $0x4  }
0x2c3: {  	v61 =	vshll.u32 v3, $0x1  }
0x2c4: {  	v3 =	vand.u32 $0x7, v3;
	v4 =	vand.u32 $0xFFFFFFF0, v61  }
0x2c5: {  	v3 =	vor.u32 v3, v4  }
0x2c6: {  	v4 =	vperm.xlane v3, v0;
	_ =	sdelay $0x1  }
0x2c7: {  	v3 =	vperm.xlane v3, v2;
	v4 =	vadd.s32 v1, v4;
	_ =	sdelay $0x1  }
0x2c8: {  	v3 =	vadd.s32 v1, v3;
	_ =	sdelay $0x1  }
0x2c9: {  	s19 =	simm.s32 $0xD400  }
0x2ca: {  	[tilespmem:s19], [sflag:$0x2] =	stream.indirect_vreg.gather [hbm4b:s4+s2], $0x80, v4, vm0, $0xb8;
	[tilespmem:$0x18400] =	vst v63  }
0x2cb: {  	s19 =	simm.s32 $0xDC00  }
0x2cc: {  	[tilespmem:s19], [sflag:$0x2] =	stream.indirect_vreg.gather [hbm4b:s4+s2], $0x80, v3, vm0, $0xb8;
	[tilespmem:$0x18400] =	vst v63  }
0x2cd: {  	v3 =	vld [tilespmem:$0x3E0];
	_ =	sdelay $0x4  }
0x2ce: {  	v62 =	vshll.u32 v3, $0x1  }
0x2cf: {  	v3 =	vand.u32 $0x7, v3;
	v4 =	vand.u32 $0xFFFFFFF0, v62  }
0x2d0: {  	v3 =	vor.u32 v3, v4  }
0x2d1: {  	v4 =	vperm.xlane v3, v0;
	_ =	sdelay $0x1  }
0x2d2: {  	v3 =	vperm.xlane v3, v2;
	v4 =	vadd.s32 v1, v4;
	_ =	sdelay $0x1  }
0x2d3: {  	v3 =	vadd.s32 v1, v3;
	_ =	sdelay $0x1  }
0x2d4: {  	s19 =	simm.s32 $0xE400  }
0x2d5: {  	[tilespmem:s19], [sflag:$0x2] =	stream.indirect_vreg.gather [hbm4b:s4+s2], $0x80, v4, vm0, $0xb8;
	[tilespmem:$0x18400] =	vst v63  }
0x2d6: {  	s19 =	simm.s32 $0xEC00  }
0x2d7: {  	[tilespmem:s19], [sflag:$0x2] =	stream.indirect_vreg.gather [hbm4b:s4+s2], $0x80, v3, vm0, $0xb8;
	[tilespmem:$0x18400] =	vst v63  }
0x2d8: {  	v3 =	vld [tilespmem:$0x3F0];
	_ =	sdelay $0x4  }
0x2d9: {  	v63 =	vshll.u32 v3, $0x1  }
0x2da: {  	v3 =	vand.u32 $0x7, v3;
	v4 =	vand.u32 $0xFFFFFFF0, v63  }
0x2db: {  	v3 =	vor.u32 v3, v4  }
0x2dc: {  	v4 =	vperm.xlane v3, v0;
	_ =	sdelay $0x1  }
0x2dd: {  	v3 =	vperm.xlane v3, v2;
	v4 =	vadd.s32 v1, v4;
	_ =	sdelay $0x1  }
0x2de: {  	v3 =	vadd.s32 v1, v3;
	_ =	sdelay $0x1  }
0x2df: {  	s19 =	simm.s32 $0xF400  }
0x2e0: {  	[tilespmem:s19], [sflag:$0x2] =	stream.indirect_vreg.gather [hbm4b:s4+s2], $0x80, v4, vm0, $0xb8;
	[tilespmem:$0x18400] =	vst v63  }
0x2e1: {  	s19 =	simm.s32 $0xFC00  }
0x2e2: {  	[tilespmem:s19], [sflag:$0x2] =	stream.indirect_vreg.gather [hbm4b:s4+s2], $0x80, v3, vm0, $0xb8;
	[tilespmem:$0x18400] =	vst v63  }
0x2e3: {  	_ =	swait.ge [sflag:s17], $0x8000  }
0x2e4: {  	[sflag:s17] =	ssyncset.done $0x0  }
0x2e5: {  	s1 =	rddreg [dreg:$0x8];
	[sflag:s17] =	ssyncadd.s32 $0xFFFF8000  }
0x2e6: {  	[hbm4b:s1+s2] =	stream.linear.scatter [tilespmem:s0], [sflag:$0x6], $0x8000, $0x38;
	[tilespmem:$0x18400] =	vst v63  }
0x2e7: {  	_ =	swait.ge [sflag:s13], $0x8000  }
0x2e8: {  	[sflag:s13] =	ssyncset.done $0x0  }
0x2e9: {  	s0 =	rddreg [dreg:$0x9];
	[sflag:s13] =	ssyncadd.s32 $0xFFFF8000  }
0x2ea: {  	[hbm4b:s0+s2] =	stream.linear.scatter [tilespmem:s28], [sflag:$0x4], $0x8000, $0x38;
	[tilespmem:$0x18400] =	vst v63  }
0x2eb: {  	_ =	swait.ge [sflag:s15], $0x8000  }
0x2ec: {  	[sflag:s15] =	ssyncset.done $0x0  }
0x2ed: {  	s1 =	rddreg [dreg:$0xa];
	[sflag:s15] =	ssyncadd.s32 $0xFFFF8000  }
0x2ee: {  	[hbm4b:s1+s2] =	stream.linear.scatter [tilespmem:s23], [sflag:$0x5], $0x8000, $0x38;
	[tilespmem:$0x18400] =	vst v63  }
0x2ef: {  	_ =	swait.ge [sflag:s18], $0x8000  }
0x2f0: {  	[sflag:s18] =	ssyncset.done $0x0  }
0x2f1: {  	[sflag:s18] =	ssyncadd.s32 $0xFFFF8000  }
0x2f2: {  	p0 =	sne.s32 s5, $0x1;
	_ =	swait.ge [sflag:s14], $0x8000  }
.Ltmp0:
0x2f3: {  	[sflag:s14] =	ssyncset.done $0x0;
	(pc) =	sbr.rel @p0 .LBB2_1-.Ltmp0, $4  }
0x2f4: {  	[sflag:s14] =	ssyncadd.s32 $0xFFFF8000  }
0x2f5: {  	_ =	swait.ge [sflag:s16], $0x8000  }
0x2f6: {  	[sflag:s16] =	ssyncset.done $0x0  }
0x2f7: {  	s5 =	sadd.s32 $0xFFFFFFFF, s5;
	[sflag:s16] =	ssyncadd.s32 $0xFFFF8000  }
0x2f8: {  	_ =	sfence.sel $0x180000  }
0x2f9: {  	[bflag:$0x0] =	sbarrier.arrive $0xFFFF  }
0x2fa: {  	_ =	strace $0x90000047  }
0x2fb: {  	s0 =	stileid.u32;
	[bflag:$0x2] =	sbarrier.arrive $0xFFFF  }
0x2fc: {  	p0 =	sne.s32 s0, $0x0;
	s0 =	rddreg [dreg:$0x2]  }
0x2fd: {  	s0 =	sadd.s32 @!p0 $0x100000, s0  }
0x2fe: {  	[sflag:s0] =	ssyncadd.tile.s32 @!p0 $0x1;
	_ =	shalt  }
.Lfunc_end2:
_tile_overlayer_lowered:
.L_overlay_start_2:
0x2ff: {  	(tag) =	ssettag $0x2  }
0x300: {  	s0 =	rddreg [dreg:$0x0];
	s2 =	stileid.u32  }
0x301: {  	s1 =	rddreg [dreg:$0x1];
	p0 =	sne.s32 s2, $0x0  }
0x302: {  	s3 =	rddreg [dreg:$0x2];
	[bflag:$0x3] =	sbarrier.arrive $0xFFFF;
	s2 =	simm.s32 @!p0 $0x1C07  }
0x303: {  	[timem:s3], [sflag:s2] =	dma.local @!p0 [hbm:s0], s1  }
0x304: {  	s0 =	simm.s32 @!p0 $0x7  }
0x305: {  	_ =	swait.ge @!p0 [sflag:s0], s1  }
0x306: {  	s1 =	ssub.s32 @!p0 $0x0, s1;
	[sflag:s0] =	ssyncset.done @!p0 $0x0  }
0x307: {  	[sflag:s0] =	ssyncadd.s32 @!p0 s1  }
0x308: {  	[bflag:$0x3] =	sbarrier.arrive $0xFFFF  }
0x309: {  	_ =	shalt  }

</sc_bundles>
